<compile_context>
chip_gen: v7x
topology: tpu7x:2x2x1
jax: 0.10.2.dev20260603
libtpu: 0.0.44.dev20260713+nightly
codegen_flags: <defaults>
</compile_context>

<pallas_src>
import functools

import jax
import jax.numpy as jnp
from jax import lax
from jax.experimental import pallas as pl
from jax.experimental.pallas import tpu as pltpu
from jax.experimental.pallas import tpu_sc as plsc

NC = 2
NS = 16
NW = NC * NS



def _proj1(x, W1_l, W1_r, b1, n_pad):
    n, d_in = x.shape
    d_h = W1_l.shape[1]
    p = n_pad // 8

    def body(x_ref, wl_ref, wr_ref, b_ref, y_ref, z_ref):
        xp = jnp.concatenate(
            [x_ref[...], jnp.zeros((n_pad - n, d_in), jnp.float32)], axis=0
        ).reshape(p, 8, d_in)
        bb = b_ref[...]
        ys = []
        zs = []
        for s in range(8):
            xs = xp[:, s, :]
            ys.append(jnp.dot(xs, wl_ref[...], preferred_element_type=jnp.float32))
            zs.append(
                jnp.dot(xs, wr_ref[...], preferred_element_type=jnp.float32) + bb
            )
        y_ref[...] = jnp.concatenate(ys, axis=1)
        z_ref[...] = jnp.concatenate(zs, axis=1)

    return pl.pallas_call(
        body,
        out_shape=[
            jax.ShapeDtypeStruct((p, 8 * d_h), jnp.float32),
            jax.ShapeDtypeStruct((p, 8 * d_h), jnp.float32),
        ],
    )(x, W1_l, W1_r, b1.reshape(1, d_h))


def _combine1(s1p, degp, z1):
    p, dd = z1.shape

    def body(s_ref, d_ref, z_ref, h_ref, r_ref):
        s = s_ref[0] + s_ref[1]
        r = 1.0 / jnp.maximum(d_ref[0] + d_ref[1], 1.0)
        h_ref[...] = jnp.maximum(s * r + z_ref[...], 0.0)
        r_ref[...] = r

    return pl.pallas_call(
        body,
        out_shape=[
            jax.ShapeDtypeStruct((p, dd), jnp.float32),
            jax.ShapeDtypeStruct((p, dd), jnp.float32),
        ],
    )(s1p, degp, z1)


def _blockdiag8(W):
    d_h, d_out = W.shape
    eye = jnp.eye(8, dtype=W.dtype)
    return (eye[:, None, :, None] * W[None, :, None, :]).reshape(
        8 * d_h, 8 * d_out
    )


def _combine2(s2p, rdeg, h, Wcat, b2, n, d_out):
    p = rdeg.shape[0]
    n_pad = p * 8

    def body(s_ref, r_ref, h_ref, w_ref, b_ref, o_ref):
        m = (s_ref[0] + s_ref[1]) * r_ref[...]
        mh = jnp.concatenate([m, h_ref[...]], axis=1)
        res = jnp.dot(mh, w_ref[...], preferred_element_type=jnp.float32)
        out = jnp.stack(
            [res[:, s * d_out:(s + 1) * d_out] for s in range(8)], axis=1
        ).reshape(n_pad, d_out)
        o_ref[...] = out[0:n] + b_ref[...]

    return pl.pallas_call(
        body,
        out_shape=jax.ShapeDtypeStruct((n, d_out), jnp.float32),
    )(s2p, rdeg, h, Wcat, b2.reshape(1, d_out))



@functools.partial(jax.jit, static_argnames=("batch", "with_deg"))
def _sc_segment_sum(y, edge, *, batch, with_deg):
    n, d = y.shape
    e = edge.shape[1]
    per_tile = e // NW
    num_chunks = per_tile // batch
    rows_per_tile = n // NS
    assert num_chunks % 2 == 0 and batch % 8 == 0 and per_tile % batch == 0

    mesh = plsc.VectorSubcoreMesh(
        core_axis_name="c", subcore_axis_name="s", num_cores=NC, num_subcores=NS
    )
    out_type = [jax.ShapeDtypeStruct((NC, n, d), jnp.float32)]
    scratch = [
        pltpu.VMEM((per_tile,), jnp.int32),
        pltpu.VMEM((batch,), jnp.int32),
        pltpu.VMEM((batch,), jnp.int32),
        pltpu.VMEM((batch, d), jnp.float32),
        pltpu.VMEM((batch, d), jnp.float32),
        pltpu.VMEM((rows_per_tile, d), jnp.float32),
        pltpu.VMEM_SHARED((n, d), jnp.float32),
        pltpu.VMEM_SHARED((n, d), jnp.float32),
        pltpu.SemaphoreType.DMA,
        pltpu.SemaphoreType.DMA,
        pltpu.SemaphoreType.DMA,
        pltpu.SemaphoreType.DMA,
    ]
    if with_deg:
        out_type.append(jax.ShapeDtypeStruct((NC, n, d), jnp.float32))
        scratch.append(pltpu.VMEM((batch, d), jnp.float32))
        scratch.append(pltpu.VMEM_SHARED((n, d), jnp.float32))
        scratch.append(pltpu.SemaphoreType.DMA)
        scratch.append(pltpu.SemaphoreType.DMA)

    @functools.partial(
        pl.kernel, out_type=out_type, mesh=mesh, scratch_types=scratch,
        compiler_params=pltpu.CompilerParams(use_tc_tiling_on_sc=False),
    )
    def k(y_hbm, edge_hbm, *refs):
        if with_deg:
            (s_out, deg_out, idxs_v, idxd_a, idxd_b, rows_a, rows_b, zbuf_v,
             acc_s, y_sp, sem_a, sem_b, ssem_a, ssem_b, ones_v, acc_d,
             osem_a, osem_b) = refs
        else:
            (s_out, idxs_v, idxd_a, idxd_b, rows_a, rows_b, zbuf_v,
             acc_s, y_sp, sem_a, sem_b, ssem_a, ssem_b) = refs

        cid = lax.axis_index("c")
        sid = lax.axis_index("s")
        wid = cid * NS + sid
        ebase = wid * per_tile
        base = sid * rows_per_tile

        zv = jnp.zeros((d,), jnp.float32)

        @pl.loop(0, rows_per_tile)
        def _(i):
            zbuf_v[i, :] = zv

        if with_deg:
            ov = jnp.ones((d,), jnp.float32)

            @pl.loop(0, batch)
            def _(i):
                ones_v[i, :] = ov

        pltpu.sync_copy(zbuf_v, acc_s.at[pl.ds(base, rows_per_tile)])
        if with_deg:
            pltpu.sync_copy(zbuf_v, acc_d.at[pl.ds(base, rows_per_tile)])
        pltpu.sync_copy(edge_hbm.at[0, pl.ds(ebase, per_tile)], idxs_v)
        pltpu.sync_copy(edge_hbm.at[1, pl.ds(ebase, batch)], idxd_a)
        nsl = pl.ds(base, rows_per_tile)
        pltpu.sync_copy(y_hbm.at[nsl], y_sp.at[nsl])
        plsc.subcore_barrier()

        pltpu.async_copy(y_sp.at[idxs_v.at[pl.ds(0, batch)]], rows_a, sem_a)

        @pl.loop(0, num_chunks, step=2)
        def _(kk):
            @pl.when(kk > 0)
            def _():
                pltpu.make_async_copy(rows_b, acc_s.at[idxd_b], ssem_b).wait()
                if with_deg:
                    pltpu.make_async_copy(
                        ones_v, acc_d.at[idxd_b], osem_b
                    ).wait()

            pltpu.sync_copy(
                edge_hbm.at[1, pl.ds(ebase + (kk + 1) * batch, batch)], idxd_b
            )
            pltpu.async_copy(
                y_sp.at[idxs_v.at[pl.ds((kk + 1) * batch, batch)]],
                rows_b, sem_b,
            )
            pltpu.make_async_copy(
                y_sp.at[idxs_v.at[pl.ds(kk * batch, batch)]], rows_a, sem_a
            ).wait()
            pltpu.async_copy(rows_a, acc_s.at[idxd_a], ssem_a, add=True)
            if with_deg:
                pltpu.async_copy(ones_v, acc_d.at[idxd_a], osem_a, add=True)

            pltpu.make_async_copy(
                y_sp.at[idxs_v.at[pl.ds((kk + 1) * batch, batch)]],
                rows_b, sem_b,
            ).wait()
            pltpu.async_copy(rows_b, acc_s.at[idxd_b], ssem_b, add=True)
            if with_deg:
                pltpu.async_copy(ones_v, acc_d.at[idxd_b], osem_b, add=True)

            pltpu.make_async_copy(rows_a, acc_s.at[idxd_a], ssem_a).wait()
            if with_deg:
                pltpu.make_async_copy(ones_v, acc_d.at[idxd_a], osem_a).wait()

            @pl.when(kk + 2 < num_chunks)
            def _():
                pltpu.sync_copy(
                    edge_hbm.at[1, pl.ds(ebase + (kk + 2) * batch, batch)],
                    idxd_a,
                )
                pltpu.async_copy(
                    y_sp.at[idxs_v.at[pl.ds((kk + 2) * batch, batch)]],
                    rows_a, sem_a,
                )

        pltpu.make_async_copy(rows_b, acc_s.at[idxd_b], ssem_b).wait()
        if with_deg:
            pltpu.make_async_copy(ones_v, acc_d.at[idxd_b], osem_b).wait()

        plsc.subcore_barrier()
        sl = pl.ds(base, rows_per_tile)
        pltpu.sync_copy(acc_s.at[sl], s_out.at[cid, sl])
        if with_deg:
            pltpu.sync_copy(acc_d.at[sl], deg_out.at[cid, sl])

    return k(y, edge)



def kernel(x, edge_index, W1_l, b1, W1_r, W2_l, b2, W2_r):
    n = x.shape[0]
    e = edge_index.shape[1]
    per_tile = e // NW
    assert per_tile * NW == e
    batch = max(
        b for b in range(8, 1256, 8)
        if per_tile % b == 0 and (per_tile // b) % 2 == 0
    )
    n_pad = -(-n // (NS * 8)) * (NS * 8)

    d_h = W1_l.shape[1]
    p = n_pad // 8

    y1, z1 = _proj1(x, W1_l, W1_r, b1, n_pad)
    s1p, degp = _sc_segment_sum(
        y1.reshape(n_pad, d_h), edge_index, batch=batch, with_deg=True
    )
    h, rdeg = _combine1(
        s1p.reshape(NC, p, 8 * d_h), degp.reshape(NC, p, 8 * d_h), z1
    )
    (s2p,) = _sc_segment_sum(
        h.reshape(n_pad, d_h), edge_index, batch=batch, with_deg=False
    )
    Wcat = jnp.concatenate([_blockdiag8(W2_l), _blockdiag8(W2_r)], axis=0)
    return _combine2(
        s2p.reshape(NC, p, 8 * d_h), rdeg, h, Wcat, b2, n, W2_l.shape[1]
    )

# --- scband reference (transcript-rebuilt; emitter-appended) ---
"""Pipeline reference for scband-graph-sage-19756849561888 (READ-ONLY COPY).

The authoritative reference and input builder live on the scoring server;
editing this copy changes nothing except your own understanding.
"""

import jax, jax.numpy as jnp
import numpy as np

N = 10000
E = 320000
D_IN = 128
D_H = 16
D_OUT = 128


def setup_inputs(seed: int = 0) -> dict:
    key = jax.random.key(seed)
    ks = jax.random.split(key, 8)
    x = jax.random.normal(ks[0], (N, D_IN), dtype=jnp.float32)
    edge_index = jax.random.randint(ks[1], (2, E), 0, N, dtype=jnp.int32)
    # SAGEConv layer 1: in=128 -> hidden=16 (lin_l with bias, lin_r without bias)
    W1_l = jax.random.normal(ks[2], (D_IN, D_H), dtype=jnp.float32) * (1.0 / np.sqrt(D_IN))
    b1 = jnp.zeros((D_H,), dtype=jnp.float32)
    W1_r = jax.random.normal(ks[3], (D_IN, D_H), dtype=jnp.float32) * (1.0 / np.sqrt(D_IN))
    # SAGEConv layer 2: hidden=16 -> out=128
    W2_l = jax.random.normal(ks[4], (D_H, D_OUT), dtype=jnp.float32) * (1.0 / np.sqrt(D_H))
    b2 = jnp.zeros((D_OUT,), dtype=jnp.float32)
    W2_r = jax.random.normal(ks[5], (D_H, D_OUT), dtype=jnp.float32) * (1.0 / np.sqrt(D_H))
    return {
        "x": x,
        "edge_index": edge_index,
        "W1_l": W1_l,
        "b1": b1,
        "W1_r": W1_r,
        "W2_l": W2_l,
        "b2": b2,
        "W2_r": W2_r,
    }


def _sage_conv(x, edge_index, W_l, b_l, W_r, num_nodes):
    # PyG-style SAGEConv with mean aggregation:
    #   out = lin_l(mean_{j in N(i)} x_j) + lin_r(x_i)
    src = edge_index[0]
    dst = edge_index[1]
    msgs = jnp.take(x, src, axis=0)  # gather source node features per edge
    summed = jax.ops.segment_sum(msgs, dst, num_segments=num_nodes)
    ones = jnp.ones((msgs.shape[0], 1), dtype=x.dtype)
    deg = jax.ops.segment_sum(ones, dst, num_segments=num_nodes)
    mean_aggr = summed / jnp.maximum(deg, 1.0)
    return mean_aggr @ W_l + b_l + x @ W_r


def reference(x, edge_index, W1_l, b1, W1_r, W2_l, b2, W2_r):
    h = _sage_conv(x, edge_index, W1_l, b1, W1_r, N)
    h = jax.nn.relu(h)
    # dropout is identity in eval mode
    out = _sage_conv(h, edge_index, W2_l, b2, W2_r, N)
    return out

if __name__ == "__main__":
    import jax
    _d = setup_inputs()
    print(jax.jit(kernel)(*tuple(_d.values())))

</pallas_src>

<mosaic_0001>
#map = affine_map<(d0, d1) -> (0, 0)>
#map1 = affine_map<(d0, d1) -> (0, 0, 0)>
module attributes {stable_mosaic.version = 14 : i64} {
  func.func @k(%arg0: i32, %arg1: i32, %arg2: memref<10112x16xf32, #tpu.memory_space<hbm>>, %arg3: memref<2x320000xi32, #tpu.memory_space<hbm>>, %arg4: memref<2x10112x16xf32, #tpu.memory_space<hbm>>, %arg5: memref<2x10112x16xf32, #tpu.memory_space<hbm>>, %arg6: memref<10000xi32, #tpu.memory_space<vmem>>, %arg7: memref<1000xi32, #tpu.memory_space<vmem>>, %arg8: memref<1000xi32, #tpu.memory_space<vmem>>, %arg9: memref<1000x16xf32, #tpu.memory_space<vmem>>, %arg10: memref<1000x16xf32, #tpu.memory_space<vmem>>, %arg11: memref<632x16xf32, #tpu.memory_space<vmem>>, %arg12: memref<10112x16xf32, #tpu.memory_space<vmem_shared>>, %arg13: memref<10112x16xf32, #tpu.memory_space<vmem_shared>>, %arg14: memref<!tpu.dma_semaphore, #tpu.memory_space<semaphore_mem>>, %arg15: memref<!tpu.dma_semaphore, #tpu.memory_space<semaphore_mem>>, %arg16: memref<!tpu.dma_semaphore, #tpu.memory_space<semaphore_mem>>, %arg17: memref<!tpu.dma_semaphore, #tpu.memory_space<semaphore_mem>>, %arg18: memref<1000x16xf32, #tpu.memory_space<vmem>>, %arg19: memref<10112x16xf32, #tpu.memory_space<vmem_shared>>, %arg20: memref<!tpu.dma_semaphore, #tpu.memory_space<semaphore_mem>>, %arg21: memref<!tpu.dma_semaphore, #tpu.memory_space<semaphore_mem>>) attributes {dimension_semantics = [#tpu.dimension_semantics<core_parallel>, #tpu.dimension_semantics<subcore_parallel>], iteration_bounds = array<i64: 2, 16>, scalar_prefetch = 0 : i64, scratch_operands = 16 : i64, tpu.core_type = #tpu.core_type<sc_vector_subcore>, window_params = [{transform_indices = #map}, {transform_indices = #map}, {transform_indices = #map1}, {transform_indices = #map1}]} {
    %mul3A = arith.constant 16 : i32
    %mul3A_0 = arith.muli %arg0, %mul3A : i32
    %add3A = arith.addi %mul3A_0, %arg1 : i32
    %mul3A_1 = arith.constant 10000 : i32
    %mul3A_2 = arith.muli %add3A, %mul3A_1 : i32
    %mul3A_3 = arith.constant 632 : i32
    %mul3A_4 = arith.muli %arg1, %mul3A_3 : i32
    %broadcast_in_dim3A = arith.constant 0.000000e+00 : f32
    %broadcast_in_dim3A_5 = vector.broadcast %broadcast_in_dim3A : f32 to vector<16xf32>
    %scan3A = arith.constant 0 : i32
    %scan3A_6 = arith.constant 632 : i32
    %scan3A_7 = arith.addi %scan3A, %scan3A_6 : i32
    %scan3A_8 = arith.constant 1 : i32
    scf.for %scan3A_33 = %scan3A to %scan3A_7 step %scan3A_8  : i32 {
      %mul3A_34 = arith.constant 1 : i32
      %mul3A_35 = arith.muli %scan3A_33, %mul3A_34 : i32
      %add3A_36 = arith.constant 0 : i32
      %add3A_37 = arith.addi %add3A_36, %mul3A_35 : i32
      %swap3A = arith.index_cast %add3A_37 : i32 to index
      %swap3A_38 = arith.constant 0 : index
      %swap3A_39 = tpu.vector_load %arg11[%swap3A, %swap3A_38] {strides = array<i32>} : memref<632x16xf32, #tpu.memory_space<vmem>>, vector<1x16xf32>,
      %swap3A_40 = vector.shape_cast %swap3A_39 : vector<1x16xf32> to vector<16xf32>
      %swap3A_41 = vector.shape_cast %broadcast_in_dim3A_5 : vector<16xf32> to vector<1x16xf32>
      tpu.vector_store %arg11[%swap3A, %swap3A_38], %swap3A_41 {strides = array<i32>} : memref<632x16xf32, #tpu.memory_space<vmem>>, vector<1x16xf32>,
    }
    %scan3A_9 = arith.constant 632 : i32
    %broadcast_in_dim3A_10 = arith.constant 1.000000e+00 : f32
    %broadcast_in_dim3A_11 = vector.broadcast %broadcast_in_dim3A_10 : f32 to vector<16xf32>
    %scan3A_12 = arith.constant 0 : i32
    %scan3A_13 = arith.constant 1000 : i32
    %scan3A_14 = arith.addi %scan3A_12, %scan3A_13 : i32
    %scan3A_15 = arith.constant 1 : i32
    scf.for %scan3A_33 = %scan3A_12 to %scan3A_14 step %scan3A_15  : i32 {
      %mul3A_34 = arith.constant 1 : i32
      %mul3A_35 = arith.muli %scan3A_33, %mul3A_34 : i32
      %add3A_36 = arith.constant 0 : i32
      %add3A_37 = arith.addi %add3A_36, %mul3A_35 : i32
      %swap3A = arith.index_cast %add3A_37 : i32 to index
      %swap3A_38 = arith.constant 0 : index
      %swap3A_39 = tpu.vector_load %arg18[%swap3A, %swap3A_38] {strides = array<i32>} : memref<1000x16xf32, #tpu.memory_space<vmem>>, vector<1x16xf32>,
      %swap3A_40 = vector.shape_cast %swap3A_39 : vector<1x16xf32> to vector<16xf32>
      %swap3A_41 = vector.shape_cast %broadcast_in_dim3A_11 : vector<16xf32> to vector<1x16xf32>
      tpu.vector_store %arg18[%swap3A, %swap3A_38], %swap3A_41 {strides = array<i32>} : memref<1000x16xf32, #tpu.memory_space<vmem>>, vector<1x16xf32>,
    }
    %scan3A_16 = arith.constant 1000 : i32
    "tpu.region"() ({
      %run_scoped3A_33 = tpu.sem_alloc : memref<!tpu.dma_semaphore, #tpu.memory_space<semaphore_mem>>
      %dma_start3A_34 = arith.constant 0 : i32
      %dma_start3A_35 = tpu.memref_slice %arg12[%mul3A_4, %dma_start3A_34] : memref<10112x16xf32, #tpu.memory_space<vmem_shared>> -> memref<632x16xf32, #tpu.memory_space<vmem_shared>>
      %dma_start3A_36 = arith.constant 0 : i32
      %dma_start3A_37 = tpu.memref_slice %arg12[%mul3A_4, %dma_start3A_36] : memref<10112x16xf32, #tpu.memory_space<vmem_shared>> -> memref<632x16xf32, #tpu.memory_space<vmem_shared>>
      tpu.enqueue_dma source(%arg11 : memref<632x16xf32, #tpu.memory_space<vmem>>) target(%dma_start3A_37 : memref<632x16xf32, #tpu.memory_space<vmem_shared>>) target_semaphore(%run_scoped3A_33 : memref<!tpu.dma_semaphore, #tpu.memory_space<semaphore_mem>>)
      %dma_wait3A_38 = arith.constant 0 : i32
      %dma_wait3A_39 = tpu.memref_slice %arg12[%mul3A_4, %dma_wait3A_38] : memref<10112x16xf32, #tpu.memory_space<vmem_shared>> -> memref<632x16xf32, #tpu.memory_space<vmem_shared>>
      %dma_wait3A_40 = arith.constant 0 : i32
      %dma_wait3A_41 = tpu.memref_slice %arg12[%mul3A_4, %dma_wait3A_40] : memref<10112x16xf32, #tpu.memory_space<vmem_shared>> -> memref<632x16xf32, #tpu.memory_space<vmem_shared>>
      tpu.wait_dma2 semaphore(%run_scoped3A_33 : memref<!tpu.dma_semaphore, #tpu.memory_space<semaphore_mem>>) src(%arg11 : memref<632x16xf32, #tpu.memory_space<vmem>>) dst(%dma_wait3A_41 : memref<632x16xf32, #tpu.memory_space<vmem_shared>>)
      tpu.yield
    }) : () -> ()
    "tpu.region"() ({
      %run_scoped3A_33 = tpu.sem_alloc : memref<!tpu.dma_semaphore, #tpu.memory_space<semaphore_mem>>
      %dma_start3A_34 = arith.constant 0 : i32
      %dma_start3A_35 = tpu.memref_slice %arg19[%mul3A_4, %dma_start3A_34] : memref<10112x16xf32, #tpu.memory_space<vmem_shared>> -> memref<632x16xf32, #tpu.memory_space<vmem_shared>>
      %dma_start3A_36 = arith.constant 0 : i32
      %dma_start3A_37 = tpu.memref_slice %arg19[%mul3A_4, %dma_start3A_36] : memref<10112x16xf32, #tpu.memory_space<vmem_shared>> -> memref<632x16xf32, #tpu.memory_space<vmem_shared>>
      tpu.enqueue_dma source(%arg11 : memref<632x16xf32, #tpu.memory_space<vmem>>) target(%dma_start3A_37 : memref<632x16xf32, #tpu.memory_space<vmem_shared>>) target_semaphore(%run_scoped3A_33 : memref<!tpu.dma_semaphore, #tpu.memory_space<semaphore_mem>>)
      %dma_wait3A_38 = arith.constant 0 : i32
      %dma_wait3A_39 = tpu.memref_slice %arg19[%mul3A_4, %dma_wait3A_38] : memref<10112x16xf32, #tpu.memory_space<vmem_shared>> -> memref<632x16xf32, #tpu.memory_space<vmem_shared>>
      %dma_wait3A_40 = arith.constant 0 : i32
      %dma_wait3A_41 = tpu.memref_slice %arg19[%mul3A_4, %dma_wait3A_40] : memref<10112x16xf32, #tpu.memory_space<vmem_shared>> -> memref<632x16xf32, #tpu.memory_space<vmem_shared>>
      tpu.wait_dma2 semaphore(%run_scoped3A_33 : memref<!tpu.dma_semaphore, #tpu.memory_space<semaphore_mem>>) src(%arg11 : memref<632x16xf32, #tpu.memory_space<vmem>>) dst(%dma_wait3A_41 : memref<632x16xf32, #tpu.memory_space<vmem_shared>>)
      tpu.yield
    }) : () -> ()
    %run_scoped3A = arith.constant 0 : i32
    "tpu.region"() ({
      %run_scoped3A_33 = tpu.sem_alloc : memref<!tpu.dma_semaphore, #tpu.memory_space<semaphore_mem>>
      %dma_start3A_34 = tpu.memref_slice %arg3[%run_scoped3A, %mul3A_2] : memref<2x320000xi32, #tpu.memory_space<hbm>> -> memref<1x10000xi32, #tpu.memory_space<hbm>>
      %dma_start3A_35 = tpu.memref_squeeze %dma_start3A_34 : memref<1x10000xi32, #tpu.memory_space<hbm>> -> memref<10000xi32, #tpu.memory_space<hbm>>
      %dma_start3A_36 = tpu.memref_slice %arg3[%run_scoped3A, %mul3A_2] : memref<2x320000xi32, #tpu.memory_space<hbm>> -> memref<1x10000xi32, #tpu.memory_space<hbm>>
      %dma_start3A_37 = tpu.memref_squeeze %dma_start3A_36 : memref<1x10000xi32, #tpu.memory_space<hbm>> -> memref<10000xi32, #tpu.memory_space<hbm>>
      tpu.enqueue_dma source(%dma_start3A_37 : memref<10000xi32, #tpu.memory_space<hbm>>) target(%arg6 : memref<10000xi32, #tpu.memory_space<vmem>>) target_semaphore(%run_scoped3A_33 : memref<!tpu.dma_semaphore, #tpu.memory_space<semaphore_mem>>)
      %dma_wait3A_38 = tpu.memref_slice %arg3[%run_scoped3A, %mul3A_2] : memref<2x320000xi32, #tpu.memory_space<hbm>> -> memref<1x10000xi32, #tpu.memory_space<hbm>>
      %dma_wait3A_39 = tpu.memref_squeeze %dma_wait3A_38 : memref<1x10000xi32, #tpu.memory_space<hbm>> -> memref<10000xi32, #tpu.memory_space<hbm>>
      %dma_wait3A_40 = tpu.memref_slice %arg3[%run_scoped3A, %mul3A_2] : memref<2x320000xi32, #tpu.memory_space<hbm>> -> memref<1x10000xi32, #tpu.memory_space<hbm>>
      %dma_wait3A_41 = tpu.memref_squeeze %dma_wait3A_40 : memref<1x10000xi32, #tpu.memory_space<hbm>> -> memref<10000xi32, #tpu.memory_space<hbm>>
      tpu.wait_dma2 semaphore(%run_scoped3A_33 : memref<!tpu.dma_semaphore, #tpu.memory_space<semaphore_mem>>) src(%dma_wait3A_41 : memref<10000xi32, #tpu.memory_space<hbm>>) dst(%arg6 : memref<10000xi32, #tpu.memory_space<vmem>>)
      tpu.yield
    }) : () -> ()
    %run_scoped3A_17 = arith.constant 1 : i32
    "tpu.region"() ({
      %run_scoped3A_33 = tpu.sem_alloc : memref<!tpu.dma_semaphore, #tpu.memory_space<semaphore_mem>>
      %dma_start3A_34 = tpu.memref_slice %arg3[%run_scoped3A_17, %mul3A_2] : memref<2x320000xi32, #tpu.memory_space<hbm>> -> memref<1x1000xi32, #tpu.memory_space<hbm>>
      %dma_start3A_35 = tpu.memref_squeeze %dma_start3A_34 : memref<1x1000xi32, #tpu.memory_space<hbm>> -> memref<1000xi32, #tpu.memory_space<hbm>>
      %dma_start3A_36 = tpu.memref_slice %arg3[%run_scoped3A_17, %mul3A_2] : memref<2x320000xi32, #tpu.memory_space<hbm>> -> memref<1x1000xi32, #tpu.memory_space<hbm>>
      %dma_start3A_37 = tpu.memref_squeeze %dma_start3A_36 : memref<1x1000xi32, #tpu.memory_space<hbm>> -> memref<1000xi32, #tpu.memory_space<hbm>>
      tpu.enqueue_dma source(%dma_start3A_37 : memref<1000xi32, #tpu.memory_space<hbm>>) target(%arg7 : memref<1000xi32, #tpu.memory_space<vmem>>) target_semaphore(%run_scoped3A_33 : memref<!tpu.dma_semaphore, #tpu.memory_space<semaphore_mem>>)
      %dma_wait3A_38 = tpu.memref_slice %arg3[%run_scoped3A_17, %mul3A_2] : memref<2x320000xi32, #tpu.memory_space<hbm>> -> memref<1x1000xi32, #tpu.memory_space<hbm>>
      %dma_wait3A_39 = tpu.memref_squeeze %dma_wait3A_38 : memref<1x1000xi32, #tpu.memory_space<hbm>> -> memref<1000xi32, #tpu.memory_space<hbm>>
      %dma_wait3A_40 = tpu.memref_slice %arg3[%run_scoped3A_17, %mul3A_2] : memref<2x320000xi32, #tpu.memory_space<hbm>> -> memref<1x1000xi32, #tpu.memory_space<hbm>>
      %dma_wait3A_41 = tpu.memref_squeeze %dma_wait3A_40 : memref<1x1000xi32, #tpu.memory_space<hbm>> -> memref<1000xi32, #tpu.memory_space<hbm>>
      tpu.wait_dma2 semaphore(%run_scoped3A_33 : memref<!tpu.dma_semaphore, #tpu.memory_space<semaphore_mem>>) src(%dma_wait3A_41 : memref<1000xi32, #tpu.memory_space<hbm>>) dst(%arg7 : memref<1000xi32, #tpu.memory_space<vmem>>)
      tpu.yield
    }) : () -> ()
    "tpu.region"() ({
      %run_scoped3A_33 = tpu.sem_alloc : memref<!tpu.dma_semaphore, #tpu.memory_space<semaphore_mem>>
      %dma_start3A_34 = arith.constant 0 : i32
      %dma_start3A_35 = tpu.memref_slice %arg13[%mul3A_4, %dma_start3A_34] : memref<10112x16xf32, #tpu.memory_space<vmem_shared>> -> memref<632x16xf32, #tpu.memory_space<vmem_shared>>
      %dma_start3A_36 = arith.constant 0 : i32
      %dma_start3A_37 = tpu.memref_slice %arg2[%mul3A_4, %dma_start3A_36] : memref<10112x16xf32, #tpu.memory_space<hbm>> -> memref<632x16xf32, #tpu.memory_space<hbm>>
      tpu.enqueue_dma source(%dma_start3A_37 : memref<632x16xf32, #tpu.memory_space<hbm>>) target(%dma_start3A_35 : memref<632x16xf32, #tpu.memory_space<vmem_shared>>) target_semaphore(%run_scoped3A_33 : memref<!tpu.dma_semaphore, #tpu.memory_space<semaphore_mem>>)
      %dma_wait3A_38 = arith.constant 0 : i32
      %dma_wait3A_39 = tpu.memref_slice %arg13[%mul3A_4, %dma_wait3A_38] : memref<10112x16xf32, #tpu.memory_space<vmem_shared>> -> memref<632x16xf32, #tpu.memory_space<vmem_shared>>
      %dma_wait3A_40 = arith.constant 0 : i32
      %dma_wait3A_41 = tpu.memref_slice %arg2[%mul3A_4, %dma_wait3A_40] : memref<10112x16xf32, #tpu.memory_space<hbm>> -> memref<632x16xf32, #tpu.memory_space<hbm>>
      tpu.wait_dma2 semaphore(%run_scoped3A_33 : memref<!tpu.dma_semaphore, #tpu.memory_space<semaphore_mem>>) src(%dma_wait3A_41 : memref<632x16xf32, #tpu.memory_space<hbm>>) dst(%dma_wait3A_39 : memref<632x16xf32, #tpu.memory_space<vmem_shared>>)
      tpu.yield
    }) : () -> ()
    %barrier3A = arith.constant 0 : index
    tpu.barrier barrier_id(%barrier3A)
    %dma_start3A = arith.constant 0 : i32
    %dma_start3A_18 = tpu.memref_slice %arg6[%dma_start3A] : memref<10000xi32, #tpu.memory_space<vmem>> -> memref<1000xi32, #tpu.memory_space<vmem>>
    %dma_start3A_19 = arith.constant 0 : i32
    %dma_start3A_20 = arith.constant 0 : i32
    %dma_start3A_21 = tpu.memref_slice %arg13[%dma_start3A_19, %dma_start3A_20] : memref<10112x16xf32, #tpu.memory_space<vmem_shared>> -> memref<10112x16xf32, #tpu.memory_space<vmem_shared>>
    tpu.enqueue_indirect_dma source(%dma_start3A_21 : memref<10112x16xf32, #tpu.memory_space<vmem_shared>>) target(%arg9 : memref<1000x16xf32, #tpu.memory_space<vmem>>) offsets(%dma_start3A_18 : memref<1000xi32, #tpu.memory_space<vmem>>) semaphore(%arg14 : memref<!tpu.dma_semaphore, #tpu.memory_space<semaphore_mem>>)
    %scan3A_22 = arith.constant 0 : i32
    %scan3A_23 = arith.constant 5 : i32
    %scan3A_24 = arith.addi %scan3A_22, %scan3A_23 : i32
    %scan3A_25 = arith.constant 1 : i32
    scf.for %scan3A_33 = %scan3A_22 to %scan3A_24 step %scan3A_25  : i32 {
      %mul3A_34 = arith.constant 2 : i32
      %mul3A_35 = arith.muli %scan3A_33, %mul3A_34 : i32
      %add3A_36 = arith.constant 0 : i32
      %add3A_37 = arith.addi %add3A_36, %mul3A_35 : i32
      %gt3A = arith.constant 0 : i32
      %gt3A_38 = arith.cmpi sgt, %add3A_37, %gt3A : i32
      %convert_element_type3A = arith.extui %gt3A_38 : i1 to i32
      %cond3A = arith.constant 0 : i32
      %cond3A_39 = arith.cmpi ne, %convert_element_type3A, %cond3A : i32
      scf.if %cond3A_39 {
        %dma_wait3A_92 = arith.constant 0 : i32
        %dma_wait3A_93 = arith.constant 0 : i32
        %dma_wait3A_94 = tpu.memref_slice %arg12[%dma_wait3A_92, %dma_wait3A_93] : memref<10112x16xf32, #tpu.memory_space<vmem_shared>> -> memref<10112x16xf32, #tpu.memory_space<vmem_shared>>
        tpu.wait_indirect_dma semaphore(%arg17 : memref<!tpu.dma_semaphore, #tpu.memory_space<semaphore_mem>>) src(%arg10 : memref<1000x16xf32, #tpu.memory_space<vmem>>) dst(%dma_wait3A_94 : memref<10112x16xf32, #tpu.memory_space<vmem_shared>>)
        %dma_wait3A_95 = arith.constant 0 : i32
        %dma_wait3A_96 = arith.constant 0 : i32
        %dma_wait3A_97 = tpu.memref_slice %arg19[%dma_wait3A_95, %dma_wait3A_96] : memref<10112x16xf32, #tpu.memory_space<vmem_shared>> -> memref<10112x16xf32, #tpu.memory_space<vmem_shared>>
        tpu.wait_indirect_dma semaphore(%arg21 : memref<!tpu.dma_semaphore, #tpu.memory_space<semaphore_mem>>) src(%arg18 : memref<1000x16xf32, #tpu.memory_space<vmem>>) dst(%dma_wait3A_97 : memref<10112x16xf32, #tpu.memory_space<vmem_shared>>)
      } else {
      }
      %add3A_40 = arith.constant 1 : i32
      %add3A_41 = arith.addi %add3A_37, %add3A_40 : i32
      %mul3A_42 = arith.constant 1000 : i32
      %mul3A_43 = arith.muli %add3A_41, %mul3A_42 : i32
      %add3A_44 = arith.addi %mul3A_2, %mul3A_43 : i32
      %run_scoped3A_45 = arith.constant 1 : i32
      "tpu.region"() ({
        %run_scoped3A_92 = tpu.sem_alloc : memref<!tpu.dma_semaphore, #tpu.memory_space<semaphore_mem>>
        %dma_start3A_93 = tpu.memref_slice %arg3[%run_scoped3A_45, %add3A_44] : memref<2x320000xi32, #tpu.memory_space<hbm>> -> memref<1x1000xi32, #tpu.memory_space<hbm>>
        %dma_start3A_94 = tpu.memref_squeeze %dma_start3A_93 : memref<1x1000xi32, #tpu.memory_space<hbm>> -> memref<1000xi32, #tpu.memory_space<hbm>>
        %dma_start3A_95 = tpu.memref_slice %arg3[%run_scoped3A_45, %add3A_44] : memref<2x320000xi32, #tpu.memory_space<hbm>> -> memref<1x1000xi32, #tpu.memory_space<hbm>>
        %dma_start3A_96 = tpu.memref_squeeze %dma_start3A_95 : memref<1x1000xi32, #tpu.memory_space<hbm>> -> memref<1000xi32, #tpu.memory_space<hbm>>
        tpu.enqueue_dma source(%dma_start3A_96 : memref<1000xi32, #tpu.memory_space<hbm>>) target(%arg8 : memref<1000xi32, #tpu.memory_space<vmem>>) target_semaphore(%run_scoped3A_92 : memref<!tpu.dma_semaphore, #tpu.memory_space<semaphore_mem>>)
        %dma_wait3A_97 = tpu.memref_slice %arg3[%run_scoped3A_45, %add3A_44] : memref<2x320000xi32, #tpu.memory_space<hbm>> -> memref<1x1000xi32, #tpu.memory_space<hbm>>
        %dma_wait3A_98 = tpu.memref_squeeze %dma_wait3A_97 : memref<1x1000xi32, #tpu.memory_space<hbm>> -> memref<1000xi32, #tpu.memory_space<hbm>>
        %dma_wait3A_99 = tpu.memref_slice %arg3[%run_scoped3A_45, %add3A_44] : memref<2x320000xi32, #tpu.memory_space<hbm>> -> memref<1x1000xi32, #tpu.memory_space<hbm>>
        %dma_wait3A_100 = tpu.memref_squeeze %dma_wait3A_99 : memref<1x1000xi32, #tpu.memory_space<hbm>> -> memref<1000xi32, #tpu.memory_space<hbm>>
        tpu.wait_dma2 semaphore(%run_scoped3A_92 : memref<!tpu.dma_semaphore, #tpu.memory_space<semaphore_mem>>) src(%dma_wait3A_100 : memref<1000xi32, #tpu.memory_space<hbm>>) dst(%arg8 : memref<1000xi32, #tpu.memory_space<vmem>>)
        tpu.yield
      }) : () -> ()
      %add3A_46 = arith.constant 1 : i32
      %add3A_47 = arith.addi %add3A_37, %add3A_46 : i32
      %mul3A_48 = arith.constant 1000 : i32
      %mul3A_49 = arith.muli %add3A_47, %mul3A_48 : i32
      %dma_start3A_50 = tpu.memref_slice %arg6[%mul3A_49] : memref<10000xi32, #tpu.memory_space<vmem>> -> memref<1000xi32, #tpu.memory_space<vmem>>
      %dma_start3A_51 = arith.constant 0 : i32
      %dma_start3A_52 = arith.constant 0 : i32
      %dma_start3A_53 = tpu.memref_slice %arg13[%dma_start3A_51, %dma_start3A_52] : memref<10112x16xf32, #tpu.memory_space<vmem_shared>> -> memref<10112x16xf32, #tpu.memory_space<vmem_shared>>
      tpu.enqueue_indirect_dma source(%dma_start3A_53 : memref<10112x16xf32, #tpu.memory_space<vmem_shared>>) target(%arg10 : memref<1000x16xf32, #tpu.memory_space<vmem>>) offsets(%dma_start3A_50 : memref<1000xi32, #tpu.memory_space<vmem>>) semaphore(%arg15 : memref<!tpu.dma_semaphore, #tpu.memory_space<semaphore_mem>>)
      %mul3A_54 = arith.constant 1000 : i32
      %mul3A_55 = arith.muli %add3A_37, %mul3A_54 : i32
      %dma_wait3A_56 = tpu.memref_slice %arg6[%mul3A_55] : memref<10000xi32, #tpu.memory_space<vmem>> -> memref<1000xi32, #tpu.memory_space<vmem>>
      %dma_wait3A_57 = arith.constant 0 : i32
      %dma_wait3A_58 = arith.constant 0 : i32
      %dma_wait3A_59 = tpu.memref_slice %arg13[%dma_wait3A_57, %dma_wait3A_58] : memref<10112x16xf32, #tpu.memory_space<vmem_shared>> -> memref<10112x16xf32, #tpu.memory_space<vmem_shared>>
      tpu.wait_indirect_dma semaphore(%arg14 : memref<!tpu.dma_semaphore, #tpu.memory_space<semaphore_mem>>) src(%dma_wait3A_59 : memref<10112x16xf32, #tpu.memory_space<vmem_shared>>) dst(%arg9 : memref<1000x16xf32, #tpu.memory_space<vmem>>)
      %dma_start3A_60 = arith.constant 0 : i32
      %dma_start3A_61 = arith.constant 0 : i32
      %dma_start3A_62 = tpu.memref_slice %arg12[%dma_start3A_60, %dma_start3A_61] : memref<10112x16xf32, #tpu.memory_space<vmem_shared>> -> memref<10112x16xf32, #tpu.memory_space<vmem_shared>>
      tpu.enqueue_indirect_dma source(%arg9 : memref<1000x16xf32, #tpu.memory_space<vmem>>) target(%dma_start3A_62 : memref<10112x16xf32, #tpu.memory_space<vmem_shared>>) offsets(%arg7 : memref<1000xi32, #tpu.memory_space<vmem>>) semaphore(%arg16 : memref<!tpu.dma_semaphore, #tpu.memory_space<semaphore_mem>>) {add = true}
      %dma_start3A_63 = arith.constant 0 : i32
      %dma_start3A_64 = arith.constant 0 : i32
      %dma_start3A_65 = tpu.memref_slice %arg19[%dma_start3A_63, %dma_start3A_64] : memref<10112x16xf32, #tpu.memory_space<vmem_shared>> -> memref<10112x16xf32, #tpu.memory_space<vmem_shared>>
      tpu.enqueue_indirect_dma source(%arg18 : memref<1000x16xf32, #tpu.memory_space<vmem>>) target(%dma_start3A_65 : memref<10112x16xf32, #tpu.memory_space<vmem_shared>>) offsets(%arg7 : memref<1000xi32, #tpu.memory_space<vmem>>) semaphore(%arg20 : memref<!tpu.dma_semaphore, #tpu.memory_space<semaphore_mem>>) {add = true}
      %add3A_66 = arith.constant 1 : i32
      %add3A_67 = arith.addi %add3A_37, %add3A_66 : i32
      %mul3A_68 = arith.constant 1000 : i32
      %mul3A_69 = arith.muli %add3A_67, %mul3A_68 : i32
      %dma_wait3A_70 = tpu.memref_slice %arg6[%mul3A_69] : memref<10000xi32, #tpu.memory_space<vmem>> -> memref<1000xi32, #tpu.memory_space<vmem>>
      %dma_wait3A_71 = arith.constant 0 : i32
      %dma_wait3A_72 = arith.constant 0 : i32
      %dma_wait3A_73 = tpu.memref_slice %arg13[%dma_wait3A_71, %dma_wait3A_72] : memref<10112x16xf32, #tpu.memory_space<vmem_shared>> -> memref<10112x16xf32, #tpu.memory_space<vmem_shared>>
      tpu.wait_indirect_dma semaphore(%arg15 : memref<!tpu.dma_semaphore, #tpu.memory_space<semaphore_mem>>) src(%dma_wait3A_73 : memref<10112x16xf32, #tpu.memory_space<vmem_shared>>) dst(%arg10 : memref<1000x16xf32, #tpu.memory_space<vmem>>)
      %dma_start3A_74 = arith.constant 0 : i32
      %dma_start3A_75 = arith.constant 0 : i32
      %dma_start3A_76 = tpu.memref_slice %arg12[%dma_start3A_74, %dma_start3A_75] : memref<10112x16xf32, #tpu.memory_space<vmem_shared>> -> memref<10112x16xf32, #tpu.memory_space<vmem_shared>>
      tpu.enqueue_indirect_dma source(%arg10 : memref<1000x16xf32, #tpu.memory_space<vmem>>) target(%dma_start3A_76 : memref<10112x16xf32, #tpu.memory_space<vmem_shared>>) offsets(%arg8 : memref<1000xi32, #tpu.memory_space<vmem>>) semaphore(%arg17 : memref<!tpu.dma_semaphore, #tpu.memory_space<semaphore_mem>>) {add = true}
      %dma_start3A_77 = arith.constant 0 : i32
      %dma_start3A_78 = arith.constant 0 : i32
      %dma_start3A_79 = tpu.memref_slice %arg19[%dma_start3A_77, %dma_start3A_78] : memref<10112x16xf32, #tpu.memory_space<vmem_shared>> -> memref<10112x16xf32, #tpu.memory_space<vmem_shared>>
      tpu.enqueue_indirect_dma source(%arg18 : memref<1000x16xf32, #tpu.memory_space<vmem>>) target(%dma_start3A_79 : memref<10112x16xf32, #tpu.memory_space<vmem_shared>>) offsets(%arg8 : memref<1000xi32, #tpu.memory_space<vmem>>) semaphore(%arg21 : memref<!tpu.dma_semaphore, #tpu.memory_space<semaphore_mem>>) {add = true}
      %dma_wait3A_80 = arith.constant 0 : i32
      %dma_wait3A_81 = arith.constant 0 : i32
      %dma_wait3A_82 = tpu.memref_slice %arg12[%dma_wait3A_80, %dma_wait3A_81] : memref<10112x16xf32, #tpu.memory_space<vmem_shared>> -> memref<10112x16xf32, #tpu.memory_space<vmem_shared>>
      tpu.wait_indirect_dma semaphore(%arg16 : memref<!tpu.dma_semaphore, #tpu.memory_space<semaphore_mem>>) src(%arg9 : memref<1000x16xf32, #tpu.memory_space<vmem>>) dst(%dma_wait3A_82 : memref<10112x16xf32, #tpu.memory_space<vmem_shared>>)
      %dma_wait3A_83 = arith.constant 0 : i32
      %dma_wait3A_84 = arith.constant 0 : i32
      %dma_wait3A_85 = tpu.memref_slice %arg19[%dma_wait3A_83, %dma_wait3A_84] : memref<10112x16xf32, #tpu.memory_space<vmem_shared>> -> memref<10112x16xf32, #tpu.memory_space<vmem_shared>>
      tpu.wait_indirect_dma semaphore(%arg20 : memref<!tpu.dma_semaphore, #tpu.memory_space<semaphore_mem>>) src(%arg18 : memref<1000x16xf32, #tpu.memory_space<vmem>>) dst(%dma_wait3A_85 : memref<10112x16xf32, #tpu.memory_space<vmem_shared>>)
      %add3A_86 = arith.constant 2 : i32
      %add3A_87 = arith.addi %add3A_37, %add3A_86 : i32
      %lt3A = arith.constant 10 : i32
      %lt3A_88 = arith.cmpi slt, %add3A_87, %lt3A : i32
      %convert_element_type3A_89 = arith.extui %lt3A_88 : i1 to i32
      %cond3A_90 = arith.constant 0 : i32
      %cond3A_91 = arith.cmpi ne, %convert_element_type3A_89, %cond3A_90 : i32
      scf.if %cond3A_91 {
        %add3A_92 = arith.constant 2 : i32
        %add3A_93 = arith.addi %add3A_37, %add3A_92 : i32
        %mul3A_94 = arith.constant 1000 : i32
        %mul3A_95 = arith.muli %add3A_93, %mul3A_94 : i32
        %add3A_96 = arith.addi %mul3A_2, %mul3A_95 : i32
        %run_scoped3A_97 = arith.constant 1 : i32
        "tpu.region"() ({
          %run_scoped3A_106 = tpu.sem_alloc : memref<!tpu.dma_semaphore, #tpu.memory_space<semaphore_mem>>
          %dma_start3A_107 = tpu.memref_slice %arg3[%run_scoped3A_97, %add3A_96] : memref<2x320000xi32, #tpu.memory_space<hbm>> -> memref<1x1000xi32, #tpu.memory_space<hbm>>
          %dma_start3A_108 = tpu.memref_squeeze %dma_start3A_107 : memref<1x1000xi32, #tpu.memory_space<hbm>> -> memref<1000xi32, #tpu.memory_space<hbm>>
          %dma_start3A_109 = tpu.memref_slice %arg3[%run_scoped3A_97, %add3A_96] : memref<2x320000xi32, #tpu.memory_space<hbm>> -> memref<1x1000xi32, #tpu.memory_space<hbm>>
          %dma_start3A_110 = tpu.memref_squeeze %dma_start3A_109 : memref<1x1000xi32, #tpu.memory_space<hbm>> -> memref<1000xi32, #tpu.memory_space<hbm>>
          tpu.enqueue_dma source(%dma_start3A_110 : memref<1000xi32, #tpu.memory_space<hbm>>) target(%arg7 : memref<1000xi32, #tpu.memory_space<vmem>>) target_semaphore(%run_scoped3A_106 : memref<!tpu.dma_semaphore, #tpu.memory_space<semaphore_mem>>)
          %dma_wait3A_111 = tpu.memref_slice %arg3[%run_scoped3A_97, %add3A_96] : memref<2x320000xi32, #tpu.memory_space<hbm>> -> memref<1x1000xi32, #tpu.memory_space<hbm>>
          %dma_wait3A_112 = tpu.memref_squeeze %dma_wait3A_111 : memref<1x1000xi32, #tpu.memory_space<hbm>> -> memref<1000xi32, #tpu.memory_space<hbm>>
          %dma_wait3A_113 = tpu.memref_slice %arg3[%run_scoped3A_97, %add3A_96] : memref<2x320000xi32, #tpu.memory_space<hbm>> -> memref<1x1000xi32, #tpu.memory_space<hbm>>
          %dma_wait3A_114 = tpu.memref_squeeze %dma_wait3A_113 : memref<1x1000xi32, #tpu.memory_space<hbm>> -> memref<1000xi32, #tpu.memory_space<hbm>>
          tpu.wait_dma2 semaphore(%run_scoped3A_106 : memref<!tpu.dma_semaphore, #tpu.memory_space<semaphore_mem>>) src(%dma_wait3A_114 : memref<1000xi32, #tpu.memory_space<hbm>>) dst(%arg7 : memref<1000xi32, #tpu.memory_space<vmem>>)
          tpu.yield
        }) : () -> ()
        %add3A_98 = arith.constant 2 : i32
        %add3A_99 = arith.addi %add3A_37, %add3A_98 : i32
        %mul3A_100 = arith.constant 1000 : i32
        %mul3A_101 = arith.muli %add3A_99, %mul3A_100 : i32
        %dma_start3A_102 = tpu.memref_slice %arg6[%mul3A_101] : memref<10000xi32, #tpu.memory_space<vmem>> -> memref<1000xi32, #tpu.memory_space<vmem>>
        %dma_start3A_103 = arith.constant 0 : i32
        %dma_start3A_104 = arith.constant 0 : i32
        %dma_start3A_105 = tpu.memref_slice %arg13[%dma_start3A_103, %dma_start3A_104] : memref<10112x16xf32, #tpu.memory_space<vmem_shared>> -> memref<10112x16xf32, #tpu.memory_space<vmem_shared>>
        tpu.enqueue_indirect_dma source(%dma_start3A_105 : memref<10112x16xf32, #tpu.memory_space<vmem_shared>>) target(%arg9 : memref<1000x16xf32, #tpu.memory_space<vmem>>) offsets(%dma_start3A_102 : memref<1000xi32, #tpu.memory_space<vmem>>) semaphore(%arg14 : memref<!tpu.dma_semaphore, #tpu.memory_space<semaphore_mem>>)
      } else {
      }
    }
    %scan3A_26 = arith.constant 5 : i32
    %dma_wait3A = arith.constant 0 : i32
    %dma_wait3A_27 = arith.constant 0 : i32
    %dma_wait3A_28 = tpu.memref_slice %arg12[%dma_wait3A, %dma_wait3A_27] : memref<10112x16xf32, #tpu.memory_space<vmem_shared>> -> memref<10112x16xf32, #tpu.memory_space<vmem_shared>>
    tpu.wait_indirect_dma semaphore(%arg17 : memref<!tpu.dma_semaphore, #tpu.memory_space<semaphore_mem>>) src(%arg10 : memref<1000x16xf32, #tpu.memory_space<vmem>>) dst(%dma_wait3A_28 : memref<10112x16xf32, #tpu.memory_space<vmem_shared>>)
    %dma_wait3A_29 = arith.constant 0 : i32
    %dma_wait3A_30 = arith.constant 0 : i32
    %dma_wait3A_31 = tpu.memref_slice %arg19[%dma_wait3A_29, %dma_wait3A_30] : memref<10112x16xf32, #tpu.memory_space<vmem_shared>> -> memref<10112x16xf32, #tpu.memory_space<vmem_shared>>
    tpu.wait_indirect_dma semaphore(%arg21 : memref<!tpu.dma_semaphore, #tpu.memory_space<semaphore_mem>>) src(%arg18 : memref<1000x16xf32, #tpu.memory_space<vmem>>) dst(%dma_wait3A_31 : memref<10112x16xf32, #tpu.memory_space<vmem_shared>>)
    %barrier3A_32 = arith.constant 0 : index
    tpu.barrier barrier_id(%barrier3A_32)
    "tpu.region"() ({
      %run_scoped3A_33 = tpu.sem_alloc : memref<!tpu.dma_semaphore, #tpu.memory_space<semaphore_mem>>
      %dma_start3A_34 = arith.constant 0 : i32
      %dma_start3A_35 = tpu.memref_slice %arg4[%arg0, %mul3A_4, %dma_start3A_34] : memref<2x10112x16xf32, #tpu.memory_space<hbm>> -> memref<1x632x16xf32, #tpu.memory_space<hbm>>
      %dma_start3A_36 = tpu.memref_squeeze %dma_start3A_35 : memref<1x632x16xf32, #tpu.memory_space<hbm>> -> memref<632x16xf32, #tpu.memory_space<hbm>>
      %dma_start3A_37 = arith.constant 0 : i32
      %dma_start3A_38 = tpu.memref_slice %arg12[%mul3A_4, %dma_start3A_37] : memref<10112x16xf32, #tpu.memory_space<vmem_shared>> -> memref<632x16xf32, #tpu.memory_space<vmem_shared>>
      tpu.enqueue_dma source(%dma_start3A_38 : memref<632x16xf32, #tpu.memory_space<vmem_shared>>) target(%dma_start3A_36 : memref<632x16xf32, #tpu.memory_space<hbm>>) target_semaphore(%run_scoped3A_33 : memref<!tpu.dma_semaphore, #tpu.memory_space<semaphore_mem>>)
      %dma_wait3A_39 = arith.constant 0 : i32
      %dma_wait3A_40 = tpu.memref_slice %arg4[%arg0, %mul3A_4, %dma_wait3A_39] : memref<2x10112x16xf32, #tpu.memory_space<hbm>> -> memref<1x632x16xf32, #tpu.memory_space<hbm>>
      %dma_wait3A_41 = tpu.memref_squeeze %dma_wait3A_40 : memref<1x632x16xf32, #tpu.memory_space<hbm>> -> memref<632x16xf32, #tpu.memory_space<hbm>>
      %dma_wait3A_42 = arith.constant 0 : i32
      %dma_wait3A_43 = tpu.memref_slice %arg12[%mul3A_4, %dma_wait3A_42] : memref<10112x16xf32, #tpu.memory_space<vmem_shared>> -> memref<632x16xf32, #tpu.memory_space<vmem_shared>>
      tpu.wait_dma2 semaphore(%run_scoped3A_33 : memref<!tpu.dma_semaphore, #tpu.memory_space<semaphore_mem>>) src(%dma_wait3A_43 : memref<632x16xf32, #tpu.memory_space<vmem_shared>>) dst(%dma_wait3A_41 : memref<632x16xf32, #tpu.memory_space<hbm>>)
      tpu.yield
    }) : () -> ()
    "tpu.region"() ({
      %run_scoped3A_33 = tpu.sem_alloc : memref<!tpu.dma_semaphore, #tpu.memory_space<semaphore_mem>>
      %dma_start3A_34 = arith.constant 0 : i32
      %dma_start3A_35 = tpu.memref_slice %arg5[%arg0, %mul3A_4, %dma_start3A_34] : memref<2x10112x16xf32, #tpu.memory_space<hbm>> -> memref<1x632x16xf32, #tpu.memory_space<hbm>>
      %dma_start3A_36 = tpu.memref_squeeze %dma_start3A_35 : memref<1x632x16xf32, #tpu.memory_space<hbm>> -> memref<632x16xf32, #tpu.memory_space<hbm>>
      %dma_start3A_37 = arith.constant 0 : i32
      %dma_start3A_38 = tpu.memref_slice %arg19[%mul3A_4, %dma_start3A_37] : memref<10112x16xf32, #tpu.memory_space<vmem_shared>> -> memref<632x16xf32, #tpu.memory_space<vmem_shared>>
      tpu.enqueue_dma source(%dma_start3A_38 : memref<632x16xf32, #tpu.memory_space<vmem_shared>>) target(%dma_start3A_36 : memref<632x16xf32, #tpu.memory_space<hbm>>) target_semaphore(%run_scoped3A_33 : memref<!tpu.dma_semaphore, #tpu.memory_space<semaphore_mem>>)
      %dma_wait3A_39 = arith.constant 0 : i32
      %dma_wait3A_40 = tpu.memref_slice %arg5[%arg0, %mul3A_4, %dma_wait3A_39] : memref<2x10112x16xf32, #tpu.memory_space<hbm>> -> memref<1x632x16xf32, #tpu.memory_space<hbm>>
      %dma_wait3A_41 = tpu.memref_squeeze %dma_wait3A_40 : memref<1x632x16xf32, #tpu.memory_space<hbm>> -> memref<632x16xf32, #tpu.memory_space<hbm>>
      %dma_wait3A_42 = arith.constant 0 : i32
      %dma_wait3A_43 = tpu.memref_slice %arg19[%mul3A_4, %dma_wait3A_42] : memref<10112x16xf32, #tpu.memory_space<vmem_shared>> -> memref<632x16xf32, #tpu.memory_space<vmem_shared>>
      tpu.wait_dma2 semaphore(%run_scoped3A_33 : memref<!tpu.dma_semaphore, #tpu.memory_space<semaphore_mem>>) src(%dma_wait3A_43 : memref<632x16xf32, #tpu.memory_space<vmem_shared>>) dst(%dma_wait3A_41 : memref<632x16xf32, #tpu.memory_space<hbm>>)
      tpu.yield
    }) : () -> ()
    return
  }
}

</mosaic_0001>

<sc_bundles>
// kernel: _sc_segment_sum.3.cloned.1.call-start
scs
__scs_entry_jumppad:
0x0: {  	(pc) =	sbr.rel $0x88, $3  }
0x1: {  	(tag) =	ssettag $0x0;
	lr =	simm.s32 $0x1  }
0x2: {  	[smem:$0x3F9F] =	sst lr;
	_ =	strace $0xD0000000  }
0x3: {  	_ = 	snop  }
0x4: {  	_ = 	snop  }
0x5: {  	_ = 	snop  }
0x6: {  	_ = 	snop  }
0x7: {  	_ = 	snop  }
__scs_overlays_trampoline_lowered:
0x8: {  	[smem:$0x3FAE] =	sst s0  }
0x9: {  	[smem:$0x3FAF] =	sst s1  }
0xa: {  	[smem:$0x3FB0] =	sst s2  }
0xb: {  	[smem:$0x3FB1] =	sst s3  }
0xc: {  	[smem:$0x3FB2] =	sst s4  }
0xd: {  	[smem:$0x3FB3] =	sst s5  }
0xe: {  	[smem:$0x3FB4] =	sst s6  }
0xf: {  	[smem:$0x3FB5] =	sst s7  }
0x10: {  	[smem:$0x3FB6] =	sst s8  }
0x11: {  	[smem:$0x3FB7] =	sst s9;
	s0 =	simm.s32 @!p0 $0x0  }
0x12: {  	s1 =	sld [smem:$0x3F9D];
	s0 =	simm.s32 @p0 $0x1  }
0x13: {  	[smem:$0x3FB8] =	sst s0;
	s0 =	simm.s32 @!p1 $0x0  }
0x14: {  	s2 =	sld [smem:$0x3F9C];
	s0 =	simm.s32 @p1 $0x1  }
0x15: {  	[smem:$0x3FB9] =	sst s0;
	s0 =	simm.s32 @!p2 $0x0  }
0x16: {  	s3 =	sld [smem:$0x3FDB];
	s0 =	simm.s32 @p2 $0x1  }
0x17: {  	s4 =	simm.s32 $0x1BF5;
	[smem:$0x3FBB] =	sst s0  }
0x18: {  	s0 =	sld [smem:$0x3F9E];
	_ =	swait.ge [sflag:s4], $0x0  }
0x19: {  	s7 =	sld [smem:$0x3F9F]  }
0x1a: {  	s8 =	sadd.s32 $0xFFFFE003, lr  }
0x1b: {  	s9 =	sadd.s32 $0xFFFFFEF7, lr;
	s5 =	simm.s32 $0xFFFFFFFF;
	p2 =	slt.u32 s8, $0xFFFFF086  }
0x1c: {  	p1 =	slt.u32 s9, $0xF7A;
	s5 =	simm.s32 @!p2 $0x0  }
0x1d: {  	s5 =	simm.s32 @p1 $0x1;
	p0 =	seq.s32 s7, s2  }
0x1e: {  	s7 =	smul.u32 @!p0 $0xF7A, s2;
	p2 =	seq.s32 @!p0 s5, $0x0  }
0x1f: {  	s9 =	smul.u32 $0xF7A, s1;
	s8 =	simm.s32 @!p0 $0x1BF5;
	p2 =	por !p2, p0  }
0x20: {  	[sflag:s8] =	ssyncset.s32 @!p0 $0xFFFFF086;
	s6 =	sadd.s32 @!p0 s3, s7;
	s7 =	simm.s32 @!p0 $0x108  }
0x21: {  	s3 =	sadd.s32 s3, s9;
	s6 =	sadd.s32 @!p0 $0x88, s6;
	s7 =	simm.s32 @p2 $0x1082  }
0x22: {  	[simem:s7], [sflag:s8] =	dma.local @!p0 [hbm:s6], $0xF7A  }
0x23: {  	s9 =	sor.u32 $0xD0000000, s2;
	s6 =	simm.s32 $0x108;
	_ =	swait.ge @!p0 [sflag:s8], $0x0  }
0x24: {  	s3 =	sadd.s32 $0x88, s3;
	s6 =	simm.s32 @!p1 $0x1082;
	[sflag:s4] =	ssyncset.s32 $0xFFFFF086  }
0x25: {  	[simem:s6], [sflag:s4] =	dma.local [hbm:s3], $0xF7A  }
0x26: {  	[smem:$0x3F9F] =	sst s1;
	(tag) =	ssettag s2;
	_ =	strace s9  }
0x27: {  	s1 =	sld [smem:$0x3FAF]  }
0x28: {  	s2 =	sld [smem:$0x3FB0]  }
0x29: {  	s4 =	sld [smem:$0x3FB2]  }
0x2a: {  	p0 =	seq.s32 s5, $0x0;
	s5 =	sld [smem:$0x3FB3]  }
0x2b: {  	s6 =	sld [smem:$0x3FB4]  }
0x2c: {  	s7 =	sld [smem:$0x3FB5]  }
0x2d: {  	s3 =	simm.s32 $0x108;
	s8 =	sld [smem:$0x3FB6]  }
0x2e: {  	s3 =	simm.s32 @!p0 $0x1082;
	s9 =	sld [smem:$0x3FB7]  }
0x2f: {  	lr =	sadd.s32 s0, s3;
	s0 =	sld [smem:$0x3FAE]  }
0x30: {  	s3 =	sld [smem:$0x3FB1]  }
0x31: {  	[smem:$0x3FBA] =	sst s10  }
0x32: {  	s10 =	sld [smem:$0x3FB8];
	_ =	sdelay $0x3  }
0x33: {  	p0 =	seq.s32 s10, $0x1;
	s10 =	sld [smem:$0x3FBA];
	_ =	sdelay $0x3  }
0x34: {  	[smem:$0x3FBA] =	sst s10  }
0x35: {  	s10 =	sld [smem:$0x3FB9];
	_ =	sdelay $0x3  }
0x36: {  	p1 =	seq.s32 s10, $0x1;
	s10 =	sld [smem:$0x3FBA];
	_ =	sdelay $0x3  }
0x37: {  	[smem:$0x3FBA] =	sst s10  }
0x38: {  	s10 =	sld [smem:$0x3FBB]  }
0x39: {  	_ = 	snop;
	(pc) =	sbr.ind lr, $3  }
0x3a: {  	_ = 	snop  }
0x3b: {  	_ = 	snop  }
0x3c: {  	p2 =	seq.s32 s10, $0x1;
	s10 =	sld [smem:$0x3FBA]  }
0x3d: {  	_ =	shalt  }
0x3e: {  	_ =	shalt  }
0x3f: {  	_ =	shalt  }
0x40: {  	_ =	shalt  }
0x41: {  	_ =	shalt  }
0x42: {  	_ =	shalt  }
0x43: {  	_ =	shalt  }
0x44: {  	_ =	shalt  }
0x45: {  	_ =	shalt  }
0x46: {  	_ =	shalt  }
0x47: {  	_ =	shalt  }
0x48: {  	_ =	shalt  }
0x49: {  	_ =	shalt  }
0x4a: {  	_ =	shalt  }
0x4b: {  	_ =	shalt  }
0x4c: {  	_ =	shalt  }
0x4d: {  	_ =	shalt  }
0x4e: {  	_ =	shalt  }
0x4f: {  	_ =	shalt  }
0x50: {  	_ =	shalt  }
0x51: {  	_ =	shalt  }
0x52: {  	_ =	shalt  }
0x53: {  	_ =	shalt  }
0x54: {  	_ =	shalt  }
0x55: {  	_ =	shalt  }
0x56: {  	_ =	shalt  }
0x57: {  	_ =	shalt  }
0x58: {  	_ =	shalt  }
0x59: {  	_ =	shalt  }
0x5a: {  	_ =	shalt  }
0x5b: {  	_ =	shalt  }
0x5c: {  	_ =	shalt  }
0x5d: {  	_ =	shalt  }
0x5e: {  	_ =	shalt  }
0x5f: {  	_ =	shalt  }
0x60: {  	_ =	shalt  }
0x61: {  	_ =	shalt  }
0x62: {  	_ =	shalt  }
0x63: {  	_ =	shalt  }
0x64: {  	_ =	shalt  }
0x65: {  	_ =	shalt  }
0x66: {  	_ =	shalt  }
0x67: {  	_ =	shalt  }
0x68: {  	_ =	shalt  }
0x69: {  	_ =	shalt  }
0x6a: {  	_ =	shalt  }
0x6b: {  	_ =	shalt  }
0x6c: {  	_ =	shalt  }
0x6d: {  	_ =	shalt  }
0x6e: {  	_ =	shalt  }
0x6f: {  	_ =	shalt  }
0x70: {  	_ =	shalt  }
0x71: {  	_ =	shalt  }
0x72: {  	_ =	shalt  }
0x73: {  	_ =	shalt  }
0x74: {  	_ =	shalt  }
0x75: {  	_ =	shalt  }
0x76: {  	_ =	shalt  }
0x77: {  	_ =	shalt  }
0x78: {  	_ =	shalt  }
0x79: {  	_ =	shalt  }
0x7a: {  	_ =	shalt  }
0x7b: {  	_ =	shalt  }
0x7c: {  	_ =	shalt  }
0x7d: {  	_ =	shalt  }
0x7e: {  	_ =	shalt  }
0x7f: {  	_ =	shalt  }
0x80: {  	_ =	shalt  }
0x81: {  	_ =	shalt  }
0x82: {  	_ =	shalt  }
0x83: {  	_ =	shalt  }
0x84: {  	_ =	shalt  }
0x85: {  	_ =	shalt  }
0x86: {  	_ =	shalt  }
0x87: {  	_ =	shalt  }
.Lfunc_end0:
.L_simem_size_0:
called_computation_lowered:
.L_overlay_start_0:
0x88: {  	s2 =	sld [smem:$0x3FD9]  }
0x89: {  	s3 =	sld [smem:$0x3FFE];
	_ =	sdelay $0x1  }
0x8a: {  	s1 =	srdreg.scid  }
0x8b: {  	s0 =	sand.u32 $0x1, s1  }
0x8c: {  	s14 =	sshll.u32 s0, $0xA;
	s2 =	sadd.s32 s3, s2  }
0x8d: {  	s2 =	sadd.s32 s2, s14  }
0x8e: {  	[smem:$0x3FC6] =	sst s2  }
0x8f: {  	_ = 	snop  }
0x90: {  	s2 =	sld [smem:$0x3FD0];
	_ =	sdelay $0x2  }
0x91: {  	s15 =	simm.s32 $0xA;
	s4 =	simm.s32 $0x10  }
0x92: {  	[smem:s4], [sflag:s15] =	dma.local [hbm:s2], $0x1  }
0x93: {  	_ =	swait.eq [sflag:s15], $0x1  }
0x94: {  	[sflag:s15] =	ssyncset.done $0x0  }
0x95: {  	s16 =	sld [smem:$0x10];
	[sflag:s15] =	ssyncadd.s32 $0xFFFFFFFF  }
0x96: {  	s17 =	sld [smem:$0x11];
	(tm) =	ssettm $0x1  }
0x97: {  	s18 =	sld [smem:$0x3FFB];
	_ =	sdelay $0x3  }
0x98: {  	_ =	strace s18  }
0x99: {  	s4 =	sld [smem:$0x3FFC];
	_ =	sdelay $0x3  }
0x9a: {  	_ =	strace s4  }
0x9b: {  	s4 =	sld [smem:$0x3FFD];
	_ =	sdelay $0x3  }
0x9c: {  	_ =	strace s4  }
0x9d: {  	_ =	strace $0x8FFFFFFF  }
0x9e: {  	s19 =	sld [smem:$0x3FDB];
	_ =	sdelay $0x1  }
0x9f: {  	s5 =	simm.s32 $_scs_section_size  }
0xa0: {  	s6 =	simm.s32 $_size__tile_overlayer_lowered;
	s7 =	simm.s32 $_tile_overlayer_lowered  }
0xa1: {  	s22 =	simm.s32 $0x1BFF;
	s21 =	sshll.u32 s7, $0x1;
	s4 =	sadd.s32 s5, s19  }
0xa2: {  	s8 =	simm.s32 $0x0;
	s20 =	sshll.u32 s6, $0x1;
	s6 =	sadd.s32 s21, s4  }
0xa3: {  	[timem:s8], [sflag:s22] =	dma.local [hbm:s6], s20  }
0xa4: {  	_ =	swait.ge [sflag:s22], s20  }
0xa5: {  	s5 =	ssub.s32 $0x0, s20;
	[sflag:s22] =	ssyncset.done $0x0  }
0xa6: {  	[sflag:s22] =	ssyncadd.s32 s5;
	_ =	sdelay $0x1  }
0xa7: {  	s23 =	simm.s32 $0x1B8B  }
0xa8: {  	_ =	swait.ge [sflag:s23], $0x1  }
0xa9: {  	[sflag:s23] =	ssyncset.done $0x0  }
0xaa: {  	s25 =	simm.s32 $0x1B8E;
	s24 =	sld [smem:$0x3FFE];
	[sflag:s23] =	ssyncadd.s32 $0xFFFFFFFF  }
0xab: {  	s26 =	simm.s32 $execute0_lowered;
	[smem:$0x3FD2] =	sst s25  }
0xac: {  	s6 =	sshll.u32 s26, $0x1;
	_ =	strace $0x80000046;
	[dreg:$0x1] =	wrdreg $0xFFFFFFFF  }
0xad: {  	s28 =	simm.s32 $_size_execute0_lowered;
	s4 =	sadd.s32 s4, s6;
	[dreg:$0x0] =	wrdreg $0x0  }
0xae: {  	s6 =	sshll.u32 s28, $0x1;
	[dreg:$0x2] =	wrdreg s4  }
0xaf: {  	[dreg:$0x3] =	wrdreg s6  }
0xb0: {  	[dreg:$0x4] =	wrdreg $0xC0  }
0xb1: {  	_ =	task [dreg:s8], $0x5FFFF  }
0xb2: {  	[dreg:$0x1] =	wrdreg $0xFFFFFFFF  }
0xb3: {  	[dreg:$0x0] =	wrdreg $0x60  }
0xb4: {  	[dreg:$0x2] =	wrdreg s24  }
0xb5: {  	[dreg:$0x3] =	wrdreg s16  }
0xb6: {  	[dreg:$0x4] =	wrdreg s17  }
0xb7: {  	[dreg:$0x5] =	wrdreg $0xD3600  }
0xb8: {  	[dreg:$0x6] =	wrdreg $0x160E00  }
0xb9: {  	[dreg:$0x7] =	wrdreg $0xFAE00  }
0xba: {  	[dreg:$0x8] =	wrdreg $0x9  }
0xbb: {  	_ =	task.clear_ibuf [dreg:s8], $0x9FFFF;
	_ =	strace $0x90000046  }
0xbc: {  	s29 =	simm.s32 $0x9;
	_ =	strace $0x80000048  }
0xbd: {  	_ =	swait.ge [sflag:s29], $0x1  }
0xbe: {  	[sflag:s29] =	ssyncadd.s32 $0xFFFFFFFF  }
0xbf: {  	_ =	strace $0x90000048  }
0xc0: {  	_ =	sfence  }
0xc1: {  	s30 =	sld [smem:$0x0];
	_ =	sdelay $0x2  }
0xc2: {  	s31 =	sshll.u32 s1, $0xD;
	s1 =	sshrl.u32 s1, $0x2  }
0xc3: {  	s3 =	sand.u32 $0x4000, s31;
	s1 =	sadd.s32 s1, s30  }
0xc4: {  	s0 =	sor.u32 s3, s0;
	s1 =	sshll.u32 s1, $0x11  }
0xc5: {  	s0 =	sor.u32 s1, s0  }
0xc6: {  	s0 =	sadd.s32 $0x8F2B, s0  }
0xc7: {  	[sflag:s0] =	ssyncadd.remote.s32 $0x1  }
0xc8: {  	_ =	sfence.sel $0xFFFF  }
0xc9: {  	[dreg:$0x0] =	wrdreg $0xFFFFFFFF;
	(pc) =	sbr.abs _section_cstart, $3  }
0xca: {  	[dreg:$0x1] =	wrdreg $0xFFFFFFFF  }
0xcb: {  	_ =	task.clear_ibuf [dreg:s8], $0x2FFFF;
	_ =	strace $0x9FFFFFFF  }
0xcc: {  	(tm) =	ssettm $0x7FFFFFFF  }
0xcd: {  	_ =	shalt  }
tec
execute0_lowered:
.L_overlay_start_1:
0x0: {  	(tag) =	ssettag $0x1  }
0x1: {  	s0 =	rddreg [dreg:$0x0]  }
0x2: {  	s3 =	rddreg [dreg:$0x1]  }
0x3: {  	s9 =	rddreg [dreg:$0x2]  }
0x4: {  	s1 =	rddreg [dreg:$0x3]  }
0x5: {  	s2 =	rddreg [dreg:$0x4]  }
0x6: {  	s4 =	rddreg [dreg:$0x5];
	s6 =	srdreg.scid  }
0x7: {  	s5 =	simm.s32 $0x0;
	s8 =	stileid.u32;
	s28 =	simm.s32 $0x3E8  }
0x8: {  	s29 =	simm.s32 $0x2EE0;
	s30 =	simm.s32 $0x2AF8;
	s31 =	simm.s32 $0x6D60  }
0x9: {  	s6 =	sand.u32 $0x1, s6;
	[smem:$0x7FF] =	sst s5;
	s10 =	smul.u32 $0x2780, s8  }
0xa: {  	s7 =	sshll.u32 s6, $0x4;
	_ =	strace $0x80000047;
	s11 =	ssub.s32 $0x2, s6  }
0xb: {  	s7 =	sor.u32 s8, s7;
	s13 =	sshrl.u32 s10, $0x3;
	s14 =	sshrl.u32 s11, $0x1  }
0xc: {  	s12 =	smul.u32 $0x2710, s7;
	s13 =	sadd.s32 s13, s0;
	s0 =	sadd.s32 $0xC00, s0  }
0xd: {  	s11 =	ssub.s32 s11, s14;
	s14 =	smul.u32 $0x27800, s6;
	s6 =	sadd.s32 s10, s1  }
0xe: {  	s7 =	sadd.s32 s10, s2;
	s13 =	sadd.s32 $0x14600, s13;
	s19 =	smax.u32 s11, $0x1  }
0xf: {  	s11 =	simm.s32 $0x5;
	s15 =	sshrl.u32 s12, $0x3;
	[dreg:$0x8] =	wrdreg s13  }
0x10: {  	s16 =	sadd.s32 $0x4E5E8, s12;
	[dreg:$0xb] =	wrdreg s19;
	s20 =	sadd.s32 $0x4EDB8, s12  }
0x11: {  	s22 =	sadd.s32 $0x4F588, s12;
	s25 =	sadd.s32 $0x4FD58, s12;
	s26 =	sadd.s32 $0x50528, s12  }
0x12: {  	s12 =	simm.s32 $0x4;
	s13 =	simm.s32 $0x6;
	s8 =	sadd.s32 s0, s15  }
0x13: {  	s18 =	sshrl.u32 s16, $0x3;
	s24 =	sshrl.u32 s22, $0x3;
	s15 =	sadd.s32 $0x9C40, s8  }
0x14: {  	s21 =	sadd.s32 $0x9D3A, s8;
	s23 =	sadd.s32 $0x9E34, s8;
	[dreg:$0x7] =	wrdreg s15  }
0x15: {  	s19 =	sadd.s32 $0x9F2E, s8;
	s15 =	sadd.s32 s10, s4;
	[dreg:$0xd] =	wrdreg s21  }
0x16: {  	s10 =	sadd.s32 s10, s14;
	[dreg:$0xf] =	wrdreg s23;
	s21 =	sadd.s32 $0xA028, s8  }
0x17: {  	s23 =	simm.s32 $0xABE0;
	s14 =	simm.s32 $0x0;
	s10 =	sshrl.u32 s10, $0x3  }
0x18: {  	s3 =	sadd.s32 s3, s10;
	s17 =	sadd.s32 s9, s10;
	s9 =	sshrl.u32 s26, $0x3  }
0x19: {  	s26 =	simm.s32 $0x2710;
	s10 =	simm.s32 $0x3;
	[dreg:$0x9] =	wrdreg s3  }
0x1a: {  	[dreg:$0xa] =	wrdreg s17;
	s3 =	sadd.s32 s0, s18;
	s18 =	sadd.s32 s0, s24  }
0x1b: {  	s22 =	sadd.s32 s0, s9;
	[dreg:$0xc] =	wrdreg s3;
	s3 =	sshrl.u32 s20, $0x3  }
0x1c: {  	s24 =	simm.s32 $0x7;
	s9 =	simm.s32 $0x2;
	s3 =	sadd.s32 s0, s3  }
0x1d: {  	[dreg:$0xe] =	wrdreg s3;
	s3 =	sshrl.u32 s25, $0x3;
	s25 =	sshrl.u32 s15, $0x3  }
0x1e: {  	v0 =	vimm.f32 $0.0e+00;
	v1 =	vimm.f32 $1.000000000e+00;
	s20 =	sadd.s32 s0, s3;
	s0 =	simm.s32 $0x1;
	s3 =	simm.s32 $0x12260  }
.LBB2_1:
0x1f: {  	s15 =	simm.s32 $0x0  }
.LBB2_2:
0x20: {  	p0 =	sne.s32 s15, $0x9DC0  }
.Ltmp0:
0x21: {  	_ = 	snop;
	(pc) =	sbr.rel @p0 .LBB2_2-.Ltmp0, $3  }
0x22: {  	_ =	sdelay $0x1  }
0x23: {  	s16 =	sshra.s32 s15, $0x2  }
0x24: {  	s15 =	sadd.s32 $0x40, s15;
	[tilespmem:s16+$0xABE0] =	vst v0  }
0x25: {  	s15 =	simm.s32 $0x40;
	s16 =	simm.s32 $0x0  }
.LBB2_4:
0x26: {  	p0 =	sne.s32 s15, $0xF9C0;
	[tilespmem:s16+$0x12260] =	vst v1;
	s16 =	smov.u32 s15;
	s15 =	sadd.s32 $0x40, s15  }
.Ltmp1:
0x27: {  	(pc) =	sbr.rel @p0 .LBB2_4-.Ltmp1, $2  }
0x28: {  	_ =	sdelay $0x2  }
0x29: {  	s16 =	sshra.s32 s16, $0x2  }
0x2a: {  	[tilespmem:s16+$0x12260] =	vst v1  }
0x2b: {  	[spmem:s6] =	stream.linear.scatter [tilespmem:s23], [sflag:$0x7], $0x2780, $0x38;
	[tilespmem:$0x18860] =	vst v63  }
0x2c: {  	_ =	swait.ge [sflag:s24], $0x2780  }
0x2d: {  	[sflag:s24] =	ssyncset.done $0x0  }
0x2e: {  	[sflag:s24] =	ssyncadd.s32 $0xFFFFD880  }
0x2f: {  	[spmem:s7] =	stream.linear.scatter [tilespmem:s23], [sflag:$0x7], $0x2780, $0x38;
	[tilespmem:$0x18860] =	vst v63  }
0x30: {  	_ =	swait.ge [sflag:s24], $0x2780  }
0x31: {  	[sflag:s24] =	ssyncset.done $0x0  }
0x32: {  	[sflag:s24] =	ssyncadd.s32 $0xFFFFD880  }
0x33: {  	[tilespmem:s5], [sflag:$0x7] =	stream.linear.gather [hbm4b:s8+s5], $0x2710, $0x38;
	[tilespmem:$0x18860] =	vst v63  }
0x34: {  	_ =	swait.ge [sflag:s24], $0x2710  }
0x35: {  	[sflag:s24] =	ssyncset.done $0x0  }
0x36: {  	s15 =	rddreg [dreg:$0x7];
	[sflag:s24] =	ssyncadd.s32 $0xFFFFD8F0  }
0x37: {  	[tilespmem:s26], [sflag:$0x7] =	stream.linear.gather [hbm4b:s15+s5], $0x3E8, $0x38;
	[tilespmem:$0x18860] =	vst v63  }
0x38: {  	s16 =	stileid.u32;
	_ =	swait.ge [sflag:s24], $0x3E8  }
0x39: {  	s15 =	sshll.u32 s16, $0x6;
	[sflag:s24] =	ssyncset.done $0x0  }
0x3a: {  	s15 =	sor.u32 $0x1C07, s15;
	s17 =	rddreg [dreg:$0x8];
	[sflag:s24] =	ssyncadd.s32 $0xFFFFFC18  }
0x3b: {  	[spmem:s25], [sflag:s15] =	dma.local [hbm:s17], $0x4F0  }
0x3c: {  	_ =	swait.ge [sflag:s24], $0x4F0  }
0x3d: {  	[sflag:s24] =	ssyncset.done $0x0  }
0x3e: {  	[sflag:s24] =	ssyncadd.s32 $0xFFFFFB10  }
0x3f: {  	[bflag:$0x0] =	sbarrier.arrive $0xFFFF  }
0x40: {  	[tilespmem:s29], [sflag:$0x1] =	stream.indirect.gather [spmem:s4], $0x10, s5, s28, $0xb8;
	[tilespmem:$0x18860] =	vst v63  }
0x41: {  	s17 =	rddreg [dreg:$0xc]  }
0x42: {  	[tilespmem:s30], [sflag:$0x7] =	stream.linear.gather [hbm4b:s17+s5], $0x3E8, $0x38;
	[tilespmem:$0x18860] =	vst v63  }
0x43: {  	_ =	swait.ge [sflag:s24], $0x3E8  }
0x44: {  	[sflag:s24] =	ssyncset.done $0x0  }
0x45: {  	[sflag:s24] =	ssyncadd.s32 $0xFFFFFC18  }
0x46: {  	[tilespmem:s31], [sflag:$0x2] =	stream.indirect.gather [spmem:s4], $0x10, s28, s28, $0xb8;
	[tilespmem:$0x18860] =	vst v63  }
0x47: {  	_ =	swait.ge [sflag:s0], $0x3E80  }
0x48: {  	[sflag:s0] =	ssyncset.done $0x0  }
0x49: {  	[sflag:s0] =	ssyncadd.s32 $0xFFFFC180  }
0x4a: {  	[spmem:s1] =	stream.indirect.scatter.add.f32 [tilespmem:s29], [sflag:$0x3], $0x10, s26, s28, $0xb8;
	[tilespmem:$0x18860] =	vst v63  }
0x4b: {  	_ = 	snop  }
0x4c: {  	[spmem:s2] =	stream.indirect.scatter.add.f32 [tilespmem:s3], [sflag:$0x5], $0x10, s26, s28, $0xb8;
	[tilespmem:$0x18860] =	vst v63  }
0x4d: {  	_ =	swait.ge [sflag:s9], $0x3E80  }
0x4e: {  	[sflag:s9] =	ssyncset.done $0x0  }
0x4f: {  	[sflag:s9] =	ssyncadd.s32 $0xFFFFC180  }
0x50: {  	[spmem:s1] =	stream.indirect.scatter.add.f32 [tilespmem:s31], [sflag:$0x4], $0x10, s30, s28, $0xb8;
	[tilespmem:$0x18860] =	vst v63  }
0x51: {  	_ = 	snop  }
0x52: {  	[spmem:s2] =	stream.indirect.scatter.add.f32 [tilespmem:s3], [sflag:$0x6], $0x10, s30, s28, $0xb8;
	[tilespmem:$0x18860] =	vst v63  }
0x53: {  	_ =	swait.ge [sflag:s10], $0x3E80  }
0x54: {  	[sflag:s10] =	ssyncset.done $0x0  }
0x55: {  	[sflag:s10] =	ssyncadd.s32 $0xFFFFC180  }
0x56: {  	_ =	swait.ge [sflag:s11], $0x3E80  }
0x57: {  	[sflag:s11] =	ssyncset.done $0x0  }
0x58: {  	s17 =	rddreg [dreg:$0xd];
	[sflag:s11] =	ssyncadd.s32 $0xFFFFC180  }
0x59: {  	[tilespmem:s26], [sflag:$0x7] =	stream.linear.gather [hbm4b:s17+s5], $0x3E8, $0x38;
	[tilespmem:$0x18860] =	vst v63  }
0x5a: {  	_ =	swait.ge [sflag:s24], $0x3E8  }
0x5b: {  	[sflag:s24] =	ssyncset.done $0x0  }
0x5c: {  	s17 =	simm.s32 $0x7D0;
	[sflag:s24] =	ssyncadd.s32 $0xFFFFFC18  }
0x5d: {  	[tilespmem:s29], [sflag:$0x1] =	stream.indirect.gather [spmem:s4], $0x10, s17, s28, $0xb8;
	[tilespmem:$0x18860] =	vst v63  }
0x5e: {  	_ =	swait.ge [sflag:s12], $0x3E80  }
0x5f: {  	[sflag:s12] =	ssyncset.done $0x0  }
0x60: {  	[sflag:s12] =	ssyncadd.s32 $0xFFFFC180  }
0x61: {  	_ =	swait.ge [sflag:s13], $0x3E80  }
0x62: {  	[sflag:s13] =	ssyncset.done $0x0  }
0x63: {  	s17 =	rddreg [dreg:$0xe];
	[sflag:s13] =	ssyncadd.s32 $0xFFFFC180  }
0x64: {  	[tilespmem:s30], [sflag:$0x7] =	stream.linear.gather [hbm4b:s17+s5], $0x3E8, $0x38;
	[tilespmem:$0x18860] =	vst v63  }
0x65: {  	_ =	swait.ge [sflag:s24], $0x3E8  }
0x66: {  	[sflag:s24] =	ssyncset.done $0x0  }
0x67: {  	s17 =	simm.s32 $0xBB8;
	[sflag:s24] =	ssyncadd.s32 $0xFFFFFC18  }
0x68: {  	[tilespmem:s31], [sflag:$0x2] =	stream.indirect.gather [spmem:s4], $0x10, s17, s28, $0xb8;
	[tilespmem:$0x18860] =	vst v63  }
0x69: {  	_ =	swait.ge [sflag:s0], $0x3E80  }
0x6a: {  	[sflag:s0] =	ssyncset.done $0x0  }
0x6b: {  	[sflag:s0] =	ssyncadd.s32 $0xFFFFC180  }
0x6c: {  	[spmem:s1] =	stream.indirect.scatter.add.f32 [tilespmem:s29], [sflag:$0x3], $0x10, s26, s28, $0xb8;
	[tilespmem:$0x18860] =	vst v63  }
0x6d: {  	_ = 	snop  }
0x6e: {  	[spmem:s2] =	stream.indirect.scatter.add.f32 [tilespmem:s3], [sflag:$0x5], $0x10, s26, s28, $0xb8;
	[tilespmem:$0x18860] =	vst v63  }
0x6f: {  	_ =	swait.ge [sflag:s9], $0x3E80  }
0x70: {  	[sflag:s9] =	ssyncset.done $0x0  }
0x71: {  	[sflag:s9] =	ssyncadd.s32 $0xFFFFC180  }
0x72: {  	[spmem:s1] =	stream.indirect.scatter.add.f32 [tilespmem:s31], [sflag:$0x4], $0x10, s30, s28, $0xb8;
	[tilespmem:$0x18860] =	vst v63  }
0x73: {  	_ = 	snop  }
0x74: {  	[spmem:s2] =	stream.indirect.scatter.add.f32 [tilespmem:s3], [sflag:$0x6], $0x10, s30, s28, $0xb8;
	[tilespmem:$0x18860] =	vst v63  }
0x75: {  	_ =	swait.ge [sflag:s10], $0x3E80  }
0x76: {  	[sflag:s10] =	ssyncset.done $0x0  }
0x77: {  	[sflag:s10] =	ssyncadd.s32 $0xFFFFC180  }
0x78: {  	_ =	swait.ge [sflag:s11], $0x3E80  }
0x79: {  	[sflag:s11] =	ssyncset.done $0x0  }
0x7a: {  	s17 =	rddreg [dreg:$0xf];
	[sflag:s11] =	ssyncadd.s32 $0xFFFFC180  }
0x7b: {  	[tilespmem:s26], [sflag:$0x7] =	stream.linear.gather [hbm4b:s17+s5], $0x3E8, $0x38;
	[tilespmem:$0x18860] =	vst v63  }
0x7c: {  	_ =	swait.ge [sflag:s24], $0x3E8  }
0x7d: {  	[sflag:s24] =	ssyncset.done $0x0  }
0x7e: {  	s17 =	simm.s32 $0xFA0;
	[sflag:s24] =	ssyncadd.s32 $0xFFFFFC18  }
0x7f: {  	[tilespmem:s29], [sflag:$0x1] =	stream.indirect.gather [spmem:s4], $0x10, s17, s28, $0xb8;
	[tilespmem:$0x18860] =	vst v63  }
0x80: {  	_ =	swait.ge [sflag:s12], $0x3E80  }
0x81: {  	[sflag:s12] =	ssyncset.done $0x0  }
0x82: {  	[sflag:s12] =	ssyncadd.s32 $0xFFFFC180  }
0x83: {  	_ =	swait.ge [sflag:s13], $0x3E80  }
0x84: {  	[sflag:s13] =	ssyncset.done $0x0  }
0x85: {  	[sflag:s13] =	ssyncadd.s32 $0xFFFFC180  }
0x86: {  	[tilespmem:s30], [sflag:$0x7] =	stream.linear.gather [hbm4b:s18+s5], $0x3E8, $0x38;
	[tilespmem:$0x18860] =	vst v63  }
0x87: {  	_ =	swait.ge [sflag:s24], $0x3E8  }
0x88: {  	[sflag:s24] =	ssyncset.done $0x0  }
0x89: {  	s17 =	simm.s32 $0x1388;
	[sflag:s24] =	ssyncadd.s32 $0xFFFFFC18  }
0x8a: {  	[tilespmem:s31], [sflag:$0x2] =	stream.indirect.gather [spmem:s4], $0x10, s17, s28, $0xb8;
	[tilespmem:$0x18860] =	vst v63  }
0x8b: {  	_ =	swait.ge [sflag:s0], $0x3E80  }
0x8c: {  	[sflag:s0] =	ssyncset.done $0x0  }
0x8d: {  	[sflag:s0] =	ssyncadd.s32 $0xFFFFC180  }
0x8e: {  	[spmem:s1] =	stream.indirect.scatter.add.f32 [tilespmem:s29], [sflag:$0x3], $0x10, s26, s28, $0xb8;
	[tilespmem:$0x18860] =	vst v63  }
0x8f: {  	_ = 	snop  }
0x90: {  	[spmem:s2] =	stream.indirect.scatter.add.f32 [tilespmem:s3], [sflag:$0x5], $0x10, s26, s28, $0xb8;
	[tilespmem:$0x18860] =	vst v63  }
0x91: {  	_ =	swait.ge [sflag:s9], $0x3E80  }
0x92: {  	[sflag:s9] =	ssyncset.done $0x0  }
0x93: {  	[sflag:s9] =	ssyncadd.s32 $0xFFFFC180  }
0x94: {  	[spmem:s1] =	stream.indirect.scatter.add.f32 [tilespmem:s31], [sflag:$0x4], $0x10, s30, s28, $0xb8;
	[tilespmem:$0x18860] =	vst v63  }
0x95: {  	_ = 	snop  }
0x96: {  	[spmem:s2] =	stream.indirect.scatter.add.f32 [tilespmem:s3], [sflag:$0x6], $0x10, s30, s28, $0xb8;
	[tilespmem:$0x18860] =	vst v63  }
0x97: {  	_ =	swait.ge [sflag:s10], $0x3E80  }
0x98: {  	[sflag:s10] =	ssyncset.done $0x0  }
0x99: {  	[sflag:s10] =	ssyncadd.s32 $0xFFFFC180  }
0x9a: {  	_ =	swait.ge [sflag:s11], $0x3E80  }
0x9b: {  	[sflag:s11] =	ssyncset.done $0x0  }
0x9c: {  	[sflag:s11] =	ssyncadd.s32 $0xFFFFC180  }
0x9d: {  	[tilespmem:s26], [sflag:$0x7] =	stream.linear.gather [hbm4b:s19+s5], $0x3E8, $0x38;
	[tilespmem:$0x18860] =	vst v63  }
0x9e: {  	_ =	swait.ge [sflag:s24], $0x3E8  }
0x9f: {  	[sflag:s24] =	ssyncset.done $0x0  }
0xa0: {  	s17 =	simm.s32 $0x1770;
	[sflag:s24] =	ssyncadd.s32 $0xFFFFFC18  }
0xa1: {  	[tilespmem:s29], [sflag:$0x1] =	stream.indirect.gather [spmem:s4], $0x10, s17, s28, $0xb8;
	[tilespmem:$0x18860] =	vst v63  }
0xa2: {  	_ =	swait.ge [sflag:s12], $0x3E80  }
0xa3: {  	[sflag:s12] =	ssyncset.done $0x0  }
0xa4: {  	[sflag:s12] =	ssyncadd.s32 $0xFFFFC180  }
0xa5: {  	_ =	swait.ge [sflag:s13], $0x3E80  }
0xa6: {  	[sflag:s13] =	ssyncset.done $0x0  }
0xa7: {  	[sflag:s13] =	ssyncadd.s32 $0xFFFFC180  }
0xa8: {  	[tilespmem:s30], [sflag:$0x7] =	stream.linear.gather [hbm4b:s20+s5], $0x3E8, $0x38;
	[tilespmem:$0x18860] =	vst v63  }
0xa9: {  	_ =	swait.ge [sflag:s24], $0x3E8  }
0xaa: {  	[sflag:s24] =	ssyncset.done $0x0  }
0xab: {  	s17 =	simm.s32 $0x1B58;
	[sflag:s24] =	ssyncadd.s32 $0xFFFFFC18  }
0xac: {  	[tilespmem:s31], [sflag:$0x2] =	stream.indirect.gather [spmem:s4], $0x10, s17, s28, $0xb8;
	[tilespmem:$0x18860] =	vst v63  }
0xad: {  	_ =	swait.ge [sflag:s0], $0x3E80  }
0xae: {  	[sflag:s0] =	ssyncset.done $0x0  }
0xaf: {  	[sflag:s0] =	ssyncadd.s32 $0xFFFFC180  }
0xb0: {  	[spmem:s1] =	stream.indirect.scatter.add.f32 [tilespmem:s29], [sflag:$0x3], $0x10, s26, s28, $0xb8;
	[tilespmem:$0x18860] =	vst v63  }
0xb1: {  	_ = 	snop  }
0xb2: {  	[spmem:s2] =	stream.indirect.scatter.add.f32 [tilespmem:s3], [sflag:$0x5], $0x10, s26, s28, $0xb8;
	[tilespmem:$0x18860] =	vst v63  }
0xb3: {  	_ =	swait.ge [sflag:s9], $0x3E80  }
0xb4: {  	[sflag:s9] =	ssyncset.done $0x0  }
0xb5: {  	[sflag:s9] =	ssyncadd.s32 $0xFFFFC180  }
0xb6: {  	[spmem:s1] =	stream.indirect.scatter.add.f32 [tilespmem:s31], [sflag:$0x4], $0x10, s30, s28, $0xb8;
	[tilespmem:$0x18860] =	vst v63  }
0xb7: {  	_ = 	snop  }
0xb8: {  	[spmem:s2] =	stream.indirect.scatter.add.f32 [tilespmem:s3], [sflag:$0x6], $0x10, s30, s28, $0xb8;
	[tilespmem:$0x18860] =	vst v63  }
0xb9: {  	_ =	swait.ge [sflag:s10], $0x3E80  }
0xba: {  	[sflag:s10] =	ssyncset.done $0x0  }
0xbb: {  	[sflag:s10] =	ssyncadd.s32 $0xFFFFC180  }
0xbc: {  	_ =	swait.ge [sflag:s11], $0x3E80  }
0xbd: {  	[sflag:s11] =	ssyncset.done $0x0  }
0xbe: {  	[sflag:s11] =	ssyncadd.s32 $0xFFFFC180  }
0xbf: {  	[tilespmem:s26], [sflag:$0x7] =	stream.linear.gather [hbm4b:s21+s5], $0x3E8, $0x38;
	[tilespmem:$0x18860] =	vst v63  }
0xc0: {  	_ =	swait.ge [sflag:s24], $0x3E8  }
0xc1: {  	[sflag:s24] =	ssyncset.done $0x0  }
0xc2: {  	s17 =	simm.s32 $0x1F40;
	[sflag:s24] =	ssyncadd.s32 $0xFFFFFC18  }
0xc3: {  	[tilespmem:s29], [sflag:$0x1] =	stream.indirect.gather [spmem:s4], $0x10, s17, s28, $0xb8;
	[tilespmem:$0x18860] =	vst v63  }
0xc4: {  	_ =	swait.ge [sflag:s12], $0x3E80  }
0xc5: {  	[sflag:s12] =	ssyncset.done $0x0  }
0xc6: {  	[sflag:s12] =	ssyncadd.s32 $0xFFFFC180  }
0xc7: {  	_ =	swait.ge [sflag:s13], $0x3E80  }
0xc8: {  	[sflag:s13] =	ssyncset.done $0x0  }
0xc9: {  	[sflag:s13] =	ssyncadd.s32 $0xFFFFC180  }
0xca: {  	[tilespmem:s30], [sflag:$0x7] =	stream.linear.gather [hbm4b:s22+s5], $0x3E8, $0x38;
	[tilespmem:$0x18860] =	vst v63  }
0xcb: {  	_ =	swait.ge [sflag:s24], $0x3E8  }
0xcc: {  	[sflag:s24] =	ssyncset.done $0x0  }
0xcd: {  	s17 =	simm.s32 $0x2328;
	[sflag:s24] =	ssyncadd.s32 $0xFFFFFC18  }
0xce: {  	[tilespmem:s31], [sflag:$0x2] =	stream.indirect.gather [spmem:s4], $0x10, s17, s28, $0xb8;
	[tilespmem:$0x18860] =	vst v63  }
0xcf: {  	_ =	swait.ge [sflag:s0], $0x3E80  }
0xd0: {  	[sflag:s0] =	ssyncset.done $0x0  }
0xd1: {  	[sflag:s0] =	ssyncadd.s32 $0xFFFFC180  }
0xd2: {  	[spmem:s1] =	stream.indirect.scatter.add.f32 [tilespmem:s29], [sflag:$0x3], $0x10, s26, s28, $0xb8;
	[tilespmem:$0x18860] =	vst v63  }
0xd3: {  	_ = 	snop  }
0xd4: {  	[spmem:s2] =	stream.indirect.scatter.add.f32 [tilespmem:s3], [sflag:$0x5], $0x10, s26, s28, $0xb8;
	[tilespmem:$0x18860] =	vst v63  }
0xd5: {  	_ =	swait.ge [sflag:s9], $0x3E80  }
0xd6: {  	[sflag:s9] =	ssyncset.done $0x0  }
0xd7: {  	[sflag:s9] =	ssyncadd.s32 $0xFFFFC180  }
0xd8: {  	[spmem:s1] =	stream.indirect.scatter.add.f32 [tilespmem:s31], [sflag:$0x4], $0x10, s30, s28, $0xb8;
	[tilespmem:$0x18860] =	vst v63  }
0xd9: {  	_ = 	snop  }
0xda: {  	[spmem:s2] =	stream.indirect.scatter.add.f32 [tilespmem:s3], [sflag:$0x6], $0x10, s30, s28, $0xb8;
	[tilespmem:$0x18860] =	vst v63  }
0xdb: {  	_ =	swait.ge [sflag:s10], $0x3E80  }
0xdc: {  	[sflag:s10] =	ssyncset.done $0x0  }
0xdd: {  	[sflag:s10] =	ssyncadd.s32 $0xFFFFC180  }
0xde: {  	_ =	swait.ge [sflag:s11], $0x3E80  }
0xdf: {  	[sflag:s11] =	ssyncset.done $0x0  }
0xe0: {  	[sflag:s11] =	ssyncadd.s32 $0xFFFFC180  }
0xe1: {  	_ =	swait.ge [sflag:s12], $0x3E80  }
0xe2: {  	[sflag:s12] =	ssyncset.done $0x0  }
0xe3: {  	[sflag:s12] =	ssyncadd.s32 $0xFFFFC180  }
0xe4: {  	_ =	swait.ge [sflag:s13], $0x3E80  }
0xe5: {  	[sflag:s13] =	ssyncset.done $0x0  }
0xe6: {  	[sflag:s13] =	ssyncadd.s32 $0xFFFFC180  }
0xe7: {  	[bflag:$0x0] =	sbarrier.arrive $0xFFFF  }
0xe8: {  	s16 =	sshrl.u32 s6, $0x3;
	s17 =	rddreg [dreg:$0x9]  }
0xe9: {  	[hbm:s17], [sflag:s15] =	dma.local [spmem:s16], $0x4F0  }
0xea: {  	_ =	swait.ge [sflag:s24], $0x4F0  }
0xeb: {  	[sflag:s24] =	ssyncset.done $0x0  }
0xec: {  	s16 =	sshrl.u32 s7, $0x3;
	s17 =	rddreg [dreg:$0xa];
	[sflag:s24] =	ssyncadd.s32 $0xFFFFFB10  }
0xed: {  	[hbm:s17], [sflag:s15] =	dma.local [spmem:s16], $0x4F0  }
0xee: {  	_ =	swait.ge [sflag:s24], $0x4F0  }
0xef: {  	s14 =	sadd.s32 $0x1, s14;
	s17 =	rddreg [dreg:$0xb]  }
0xf0: {  	p0 =	sne.s32 s14, s17  }
.Ltmp2:
0xf1: {  	_ = 	snop;
	(pc) =	sbr.rel @p0 .LBB2_1-.Ltmp2, $3  }
0xf2: {  	_ =	sdelay $0x1  }
0xf3: {  	[sflag:s24] =	ssyncset.done $0x0  }
0xf4: {  	[sflag:s24] =	ssyncadd.s32 $0xFFFFFB10  }
0xf5: {  	_ =	sfence.sel $0x180000  }
0xf6: {  	[bflag:$0x0] =	sbarrier.arrive $0xFFFF  }
0xf7: {  	_ =	strace $0x90000047  }
0xf8: {  	s0 =	stileid.u32;
	[bflag:$0x2] =	sbarrier.arrive $0xFFFF  }
0xf9: {  	p0 =	sne.s32 s0, $0x0;
	s0 =	rddreg [dreg:$0x6]  }
0xfa: {  	s0 =	sadd.s32 @!p0 $0x100000, s0  }
0xfb: {  	[sflag:s0] =	ssyncadd.tile.s32 @!p0 $0x1;
	_ =	shalt  }
.Lfunc_end2:
_tile_overlayer_lowered:
.L_overlay_start_2:
0xfc: {  	(tag) =	ssettag $0x2  }
0xfd: {  	s0 =	rddreg [dreg:$0x0];
	s2 =	stileid.u32  }
0xfe: {  	s1 =	rddreg [dreg:$0x1];
	p0 =	sne.s32 s2, $0x0  }
0xff: {  	s3 =	rddreg [dreg:$0x2];
	[bflag:$0x3] =	sbarrier.arrive $0xFFFF;
	s2 =	simm.s32 @!p0 $0x1C07  }
0x100: {  	[timem:s3], [sflag:s2] =	dma.local @!p0 [hbm:s0], s1  }
0x101: {  	s0 =	simm.s32 @!p0 $0x7  }
0x102: {  	_ =	swait.ge @!p0 [sflag:s0], s1  }
0x103: {  	s1 =	ssub.s32 @!p0 $0x0, s1;
	[sflag:s0] =	ssyncset.done @!p0 $0x0  }
0x104: {  	[sflag:s0] =	ssyncadd.s32 @!p0 s1  }
0x105: {  	[bflag:$0x3] =	sbarrier.arrive $0xFFFF  }
0x106: {  	_ =	shalt  }

</sc_bundles>
